<compile_context>
chip_gen: v7x
topology: tpu7x:2x2x1
jax: 0.10.2.dev20260603
libtpu: 0.0.44.dev20260713+nightly
codegen_flags: <defaults>
</compile_context>

<pallas_src>
import functools

import jax
import jax.numpy as jnp
from jax import lax
from jax.experimental import pallas as pl
from jax.experimental.pallas import tpu as pltpu
from jax.experimental.pallas import tpu_sc as plsc

N = 10000
E = 320000
D = 128

NC = 2
NS = 16
NW = NC * NS
EPW = E // NW
K = 125
C = EPW // K
NP = 10240
TPN = NP // NS

BM = 2048
G = (N + BM - 1) // BM


def _mesh():
    return plsc.VectorSubcoreMesh(core_axis_name="c", subcore_axis_name="s")



@functools.partial(
    pl.kernel,
    out_type=jax.ShapeDtypeStruct((NW, NP), jnp.float32),
    mesh=_mesh(),
    compiler_params=pltpu.CompilerParams(needs_layout_passes=False),
    scratch_types=[
        pltpu.VMEM((EPW,), jnp.int32),
        pltpu.VMEM((NP,), jnp.float32),
    ],
)
def _deg_kernel(dst_hbm, zeros_hbm, out_hbm, dst_v, acc):
    cid = lax.axis_index("c")
    sid = lax.axis_index("s")
    wid = cid * NS + sid
    pltpu.sync_copy(zeros_hbm, acc)
    pltpu.sync_copy(dst_hbm.at[wid], dst_v)
    ones = jnp.full((16,), 1.0, jnp.float32)

    def body(j, carry):
        idx = dst_v[pl.ds(j * 16, 16)]
        plsc.addupdate_scatter(acc, [idx], ones)
        return carry

    lax.fori_loop(0, EPW // 16, body, 0)
    pltpu.sync_copy(acc, out_hbm.at[wid])


@functools.partial(
    pl.kernel,
    out_type=jax.ShapeDtypeStruct((NC, NP, D), jnp.float32),
    mesh=_mesh(),
    scratch_types=[
        pltpu.VMEM((2, K), jnp.int32),
        pltpu.VMEM((2, K), jnp.int32),
        pltpu.VMEM((2, K), jnp.int32),
        pltpu.VMEM((2, K), jnp.int32),
        pltpu.VMEM((K, D), jnp.float32),
        pltpu.VMEM((K, D), jnp.float32),
        pltpu.VMEM_SHARED((NP, D), jnp.float32),
        pltpu.SemaphoreType.DMA,
        pltpu.SemaphoreType.DMA,
        pltpu.SemaphoreType.DMA,
        pltpu.SemaphoreType.DMA,
        pltpu.SemaphoreType.DMA,
        pltpu.SemaphoreType.DMA,
    ],
)
def _scatter_kernel(y_hbm, sd_hbm, zeros_hbm, out_hbm,
                    idx0, idx1, idx2, idx3, rows0, rows1, acc,
                    isem0, isem1, isem2, isem3, rsem0, rsem1):
    cid = lax.axis_index("c")
    sid = lax.axis_index("s")
    wid = cid * NS + sid
    idx = (idx0, idx1, idx2, idx3)
    isem = (isem0, isem1, isem2, isem3)
    rows = (rows0, rows1)
    rsem = (rsem0, rsem1)

    for i in range(4):
        pltpu.async_copy(sd_hbm.at[wid, i], idx[i], isem[i])

    @pl.when(cid == 0)
    def _():
        pltpu.sync_copy(y_hbm.at[pl.ds(sid * TPN, TPN)],
                        acc.at[pl.ds(sid * TPN, TPN)])

    @pl.when(cid != 0)
    def _():
        pltpu.sync_copy(zeros_hbm, acc.at[pl.ds(sid * TPN, TPN)])
    for j in range(2):
        pltpu.make_async_copy(sd_hbm.at[wid, j], idx[j], isem[j]).wait()
        pltpu.async_copy(y_hbm.at[idx[j].at[0]], rows[j], rsem[j])
    plsc.subcore_barrier()

    def body(g, carry):
        for u in range(4):
            j = 4 * g + u
            rb = u % 2
            pltpu.make_async_copy(y_hbm.at[idx[u].at[0]], rows[rb],
                                  rsem[rb]).wait()
            pltpu.sync_copy(rows[rb], acc.at[idx[u].at[1]], add=True)

            @pl.when(j + 4 < C)
            def _():
                pltpu.async_copy(sd_hbm.at[wid, j + 4], idx[u], isem[u])

            @pl.when(j + 2 < C)
            def _():
                u2 = (u + 2) % 4
                pltpu.make_async_copy(sd_hbm.at[wid, j + 2], idx[u2],
                                      isem[u2]).wait()
                pltpu.async_copy(y_hbm.at[idx[u2].at[0]], rows[rb], rsem[rb])
        return carry

    lax.fori_loop(0, C // 4, body, 0)
    plsc.subcore_barrier()
    pltpu.sync_copy(acc.at[pl.ds(sid * TPN, TPN)],
                    out_hbm.at[cid, pl.ds(sid * TPN, TPN)])



def _dis_block(deg_ref):
    i = pl.program_id(0)
    blk = deg_ref[:, pl.ds(i * BM, BM)]
    deg = jnp.sum(blk, axis=0) + 1.0
    return lax.rsqrt(deg)


def _mm_scale_body(deg_ref, x_ref, w_ref, o_ref):
    dis = _dis_block(deg_ref)
    o_ref[...] = jnp.dot(x_ref[...], w_ref[...],
                         preferred_element_type=jnp.float32) * dis[:, None]


def _layer2_body(deg_ref, agg_ref, b1_ref, w2_ref, o_ref):
    dis = _dis_block(deg_ref)
    tot = agg_ref[0] + agg_ref[1]
    h = jnp.maximum(tot * dis[:, None] + b1_ref[...], 0.0)
    o_ref[...] = jnp.dot(h, w2_ref[...],
                         preferred_element_type=jnp.float32) * dis[:, None]


def _final_body(deg_ref, agg_ref, b2_ref, o_ref):
    dis = _dis_block(deg_ref)
    tot = agg_ref[0] + agg_ref[1]
    o_ref[...] = tot * dis[:, None] + b2_ref[...]


def _row_spec():
    return pl.BlockSpec((BM, D), lambda i: (i, 0))


def _deg_spec():
    return pl.BlockSpec((NW, NP), lambda i: (0, 0))


def _agg_spec():
    return pl.BlockSpec((NC, BM, D), lambda i: (0, i, 0))


def _full_spec(shape):
    nd = len(shape)
    return pl.BlockSpec(shape, lambda i: (0,) * nd)


def _mm_scale(deg_parts, x, W):
    return pl.pallas_call(
        _mm_scale_body,
        grid=(G,),
        in_specs=[_deg_spec(), _row_spec(), _full_spec((D, D))],
        out_specs=_row_spec(),
        out_shape=jax.ShapeDtypeStruct((NP, D), jnp.float32),
    )(deg_parts, x, W)


def _layer2(deg_parts, agg, b1, W2):
    return pl.pallas_call(
        _layer2_body,
        grid=(G,),
        in_specs=[_deg_spec(), _agg_spec(),
                  _full_spec((1, D)), _full_spec((D, D))],
        out_specs=_row_spec(),
        out_shape=jax.ShapeDtypeStruct((NP, D), jnp.float32),
    )(deg_parts, agg, b1, W2)


def _final(deg_parts, agg, b2):
    return pl.pallas_call(
        _final_body,
        grid=(G,),
        in_specs=[_deg_spec(), _agg_spec(), _full_spec((1, D))],
        out_specs=_row_spec(),
        out_shape=jax.ShapeDtypeStruct((N, D), jnp.float32),
    )(deg_parts, agg, b2)



def kernel(x, edge_index, W1, b1, W2, b2):
    src = edge_index[0].astype(jnp.int32).reshape(NW, C, 1, K)
    dst = edge_index[1].astype(jnp.int32).reshape(NW, C, 1, K)
    sd = jnp.concatenate([src, dst], axis=2)
    dst_flat = edge_index[1].astype(jnp.int32).reshape(NW, EPW)
    zeros_deg = jnp.zeros((NP,), jnp.float32)
    zeros_row = jnp.zeros((TPN, D), jnp.float32)

    deg_parts = _deg_kernel(dst_flat, zeros_deg)
    y1 = _mm_scale(deg_parts, x, W1)
    agg1 = _scatter_kernel(y1, sd, zeros_row)
    y2 = _layer2(deg_parts, agg1, b1.reshape(1, D), W2)
    agg2 = _scatter_kernel(y2, sd, zeros_row)
    return _final(deg_parts, agg2, b2.reshape(1, D))

# --- scband reference (transcript-rebuilt; emitter-appended) ---
"""Pipeline reference for scband-gcn-4801773437640 (READ-ONLY COPY).

The authoritative reference and input builder live on the scoring server;
editing this copy changes nothing except your own understanding.
"""

import jax, jax.numpy as jnp
import numpy as np

N_NODES = 10000
N_EDGES = 320000
D_IN = 128
D_HID = 128
D_OUT = 128


def _gcn_conv(x, src, dst, W, b):
    N = x.shape[0]
    loop = jnp.arange(N, dtype=src.dtype)
    src_a = jnp.concatenate([src, loop])
    dst_a = jnp.concatenate([dst, loop])
    ew = jnp.ones(src_a.shape[0], dtype=x.dtype)
    deg = jnp.zeros((N,), dtype=x.dtype).at[dst_a].add(ew)
    dis = jnp.where(deg > 0, jax.lax.rsqrt(jnp.maximum(deg, 1e-12)), 0.0)
    norm = dis[src_a] * dis[dst_a]
    xw = x @ W
    msg = jnp.take(xw, src_a, axis=0) * norm[:, None]
    out = jnp.zeros((N, xw.shape[1]), dtype=x.dtype).at[dst_a].add(msg)
    return out + b


def setup_inputs(seed: int = 0) -> dict:
    key = jax.random.key(seed)
    k1, k2, k3, k4, k5 = jax.random.split(key, 5)
    x = jax.random.normal(k1, (N_NODES, D_IN), dtype=jnp.float32)
    edge_index = jax.random.randint(k2, (2, N_EDGES), 0, N_NODES, dtype=jnp.int64)
    # Glorot-style init for GCNConv weights, zero bias (PyG default)
    s1 = float(np.sqrt(6.0 / (D_IN + D_HID)))
    W1 = jax.random.uniform(k3, (D_IN, D_HID), dtype=jnp.float32, minval=-s1, maxval=s1)
    b1 = jnp.zeros((D_HID,), dtype=jnp.float32)
    s2 = float(np.sqrt(6.0 / (D_HID + D_OUT)))
    W2 = jax.random.uniform(k4, (D_HID, D_OUT), dtype=jnp.float32, minval=-s2, maxval=s2)
    b2 = jnp.zeros((D_OUT,), dtype=jnp.float32)
    return {"x": x, "edge_index": edge_index, "W1": W1, "b1": b1, "W2": W2, "b2": b2}


def reference(x, edge_index, W1, b1, W2, b2):
    src = edge_index[0]
    dst = edge_index[1]
    h = _gcn_conv(x, src, dst, W1, b1)
    h = jax.nn.relu(h)
    # dropout is identity at inference (training=False)
    out = _gcn_conv(h, src, dst, W2, b2)
    return out

if __name__ == "__main__":
    import jax
    _d = setup_inputs()
    print(jax.jit(kernel)(*tuple(_d.values())))

</pallas_src>

<mosaic_0001>
#map = affine_map<(d0, d1) -> (0, 0)>
#map1 = affine_map<(d0, d1) -> (0)>
module attributes {stable_mosaic.version = 14 : i64} {
  func.func @_deg_kernel(%arg0: i32, %arg1: i32, %arg2: memref<32x10000xi32, #tpu.memory_space<hbm>>, %arg3: memref<10240xf32, #tpu.memory_space<hbm>>, %arg4: memref<32x10240xf32, #tpu.memory_space<hbm>>, %arg5: memref<10000xi32, #tpu.memory_space<vmem>>, %arg6: memref<10240xf32, #tpu.memory_space<vmem>>) attributes {dimension_semantics = [#tpu.dimension_semantics<core_parallel>, #tpu.dimension_semantics<subcore_parallel>], iteration_bounds = array<i64: 2, 16>, scalar_prefetch = 0 : i64, scratch_operands = 2 : i64, tpu.core_type = #tpu.core_type<sc_vector_subcore>, window_params = [{transform_indices = #map}, {transform_indices = #map1}, {transform_indices = #map}]} {
    %mul3A = arith.constant 16 : i32
    %mul3A_0 = arith.muli %arg0, %mul3A : i32
    %add3A = arith.addi %mul3A_0, %arg1 : i32
    "tpu.region"() ({
      %run_scoped3A = tpu.sem_alloc : memref<!tpu.dma_semaphore, #tpu.memory_space<semaphore_mem>>
      tpu.enqueue_dma source(%arg3 : memref<10240xf32, #tpu.memory_space<hbm>>) target(%arg6 : memref<10240xf32, #tpu.memory_space<vmem>>) target_semaphore(%run_scoped3A : memref<!tpu.dma_semaphore, #tpu.memory_space<semaphore_mem>>)
      tpu.wait_dma2 semaphore(%run_scoped3A : memref<!tpu.dma_semaphore, #tpu.memory_space<semaphore_mem>>) src(%arg3 : memref<10240xf32, #tpu.memory_space<hbm>>) dst(%arg6 : memref<10240xf32, #tpu.memory_space<vmem>>)
      tpu.yield
    }) : () -> ()
    "tpu.region"() ({
      %run_scoped3A = tpu.sem_alloc : memref<!tpu.dma_semaphore, #tpu.memory_space<semaphore_mem>>
      %dma_start3A = arith.constant 0 : i32
      %dma_start3A_7 = tpu.memref_slice %arg2[%add3A, %dma_start3A] : memref<32x10000xi32, #tpu.memory_space<hbm>> -> memref<1x10000xi32, #tpu.memory_space<hbm>>
      %dma_start3A_8 = tpu.memref_squeeze %dma_start3A_7 : memref<1x10000xi32, #tpu.memory_space<hbm>> -> memref<10000xi32, #tpu.memory_space<hbm>>
      %dma_start3A_9 = arith.constant 0 : i32
      %dma_start3A_10 = tpu.memref_slice %arg2[%add3A, %dma_start3A_9] : memref<32x10000xi32, #tpu.memory_space<hbm>> -> memref<1x10000xi32, #tpu.memory_space<hbm>>
      %dma_start3A_11 = tpu.memref_squeeze %dma_start3A_10 : memref<1x10000xi32, #tpu.memory_space<hbm>> -> memref<10000xi32, #tpu.memory_space<hbm>>
      tpu.enqueue_dma source(%dma_start3A_11 : memref<10000xi32, #tpu.memory_space<hbm>>) target(%arg5 : memref<10000xi32, #tpu.memory_space<vmem>>) target_semaphore(%run_scoped3A : memref<!tpu.dma_semaphore, #tpu.memory_space<semaphore_mem>>)
      %dma_wait3A = arith.constant 0 : i32
      %dma_wait3A_12 = tpu.memref_slice %arg2[%add3A, %dma_wait3A] : memref<32x10000xi32, #tpu.memory_space<hbm>> -> memref<1x10000xi32, #tpu.memory_space<hbm>>
      %dma_wait3A_13 = tpu.memref_squeeze %dma_wait3A_12 : memref<1x10000xi32, #tpu.memory_space<hbm>> -> memref<10000xi32, #tpu.memory_space<hbm>>
      %dma_wait3A_14 = arith.constant 0 : i32
      %dma_wait3A_15 = tpu.memref_slice %arg2[%add3A, %dma_wait3A_14] : memref<32x10000xi32, #tpu.memory_space<hbm>> -> memref<1x10000xi32, #tpu.memory_space<hbm>>
      %dma_wait3A_16 = tpu.memref_squeeze %dma_wait3A_15 : memref<1x10000xi32, #tpu.memory_space<hbm>> -> memref<10000xi32, #tpu.memory_space<hbm>>
      tpu.wait_dma2 semaphore(%run_scoped3A : memref<!tpu.dma_semaphore, #tpu.memory_space<semaphore_mem>>) src(%dma_wait3A_16 : memref<10000xi32, #tpu.memory_space<hbm>>) dst(%arg5 : memref<10000xi32, #tpu.memory_space<vmem>>)
      tpu.yield
    }) : () -> ()
    %broadcast_in_dim3A = arith.constant 1.000000e+00 : f32
    %broadcast_in_dim3A_1 = vector.broadcast %broadcast_in_dim3A : f32 to vector<16xf32>
    %scan3A = arith.constant 0 : i32
    %scan3A_2 = arith.constant 0 : i32
    %scan3A_3 = arith.constant 625 : i32
    %scan3A_4 = arith.addi %scan3A_2, %scan3A_3 : i32
    %scan3A_5 = arith.constant 1 : i32
    scf.for %scan3A_7 = %scan3A_2 to %scan3A_4 step %scan3A_5  : i32 {
      %mul3A_8 = arith.constant 16 : i32
      %mul3A_9 = arith.muli %scan3A_7, %mul3A_8 : i32
      %get3A = arith.index_cast %mul3A_9 : i32 to index
      %get3A_10 = tpu.vector_load %arg5[%get3A] {strides = array<i32>} : memref<10000xi32, #tpu.memory_space<vmem>>, vector<16xi32>,
      tpu.vector_store_idx %arg6[%get3A_10], %broadcast_in_dim3A_1 {add = true} : memref<10240xf32, #tpu.memory_space<vmem>>[vector<16xi32>], vector<16xf32>,
    }
    %scan3A_6 = arith.constant 625 : i32
    "tpu.region"() ({
      %run_scoped3A = tpu.sem_alloc : memref<!tpu.dma_semaphore, #tpu.memory_space<semaphore_mem>>
      %dma_start3A = arith.constant 0 : i32
      %dma_start3A_7 = tpu.memref_slice %arg4[%add3A, %dma_start3A] : memref<32x10240xf32, #tpu.memory_space<hbm>> -> memref<1x10240xf32, #tpu.memory_space<hbm>>
      %dma_start3A_8 = tpu.memref_squeeze %dma_start3A_7 : memref<1x10240xf32, #tpu.memory_space<hbm>> -> memref<10240xf32, #tpu.memory_space<hbm>>
      %dma_start3A_9 = arith.constant 0 : i32
      %dma_start3A_10 = tpu.memref_slice %arg4[%add3A, %dma_start3A_9] : memref<32x10240xf32, #tpu.memory_space<hbm>> -> memref<1x10240xf32, #tpu.memory_space<hbm>>
      %dma_start3A_11 = tpu.memref_squeeze %dma_start3A_10 : memref<1x10240xf32, #tpu.memory_space<hbm>> -> memref<10240xf32, #tpu.memory_space<hbm>>
      tpu.enqueue_dma source(%arg6 : memref<10240xf32, #tpu.memory_space<vmem>>) target(%dma_start3A_11 : memref<10240xf32, #tpu.memory_space<hbm>>) target_semaphore(%run_scoped3A : memref<!tpu.dma_semaphore, #tpu.memory_space<semaphore_mem>>)
      %dma_wait3A = arith.constant 0 : i32
      %dma_wait3A_12 = tpu.memref_slice %arg4[%add3A, %dma_wait3A] : memref<32x10240xf32, #tpu.memory_space<hbm>> -> memref<1x10240xf32, #tpu.memory_space<hbm>>
      %dma_wait3A_13 = tpu.memref_squeeze %dma_wait3A_12 : memref<1x10240xf32, #tpu.memory_space<hbm>> -> memref<10240xf32, #tpu.memory_space<hbm>>
      %dma_wait3A_14 = arith.constant 0 : i32
      %dma_wait3A_15 = tpu.memref_slice %arg4[%add3A, %dma_wait3A_14] : memref<32x10240xf32, #tpu.memory_space<hbm>> -> memref<1x10240xf32, #tpu.memory_space<hbm>>
      %dma_wait3A_16 = tpu.memref_squeeze %dma_wait3A_15 : memref<1x10240xf32, #tpu.memory_space<hbm>> -> memref<10240xf32, #tpu.memory_space<hbm>>
      tpu.wait_dma2 semaphore(%run_scoped3A : memref<!tpu.dma_semaphore, #tpu.memory_space<semaphore_mem>>) src(%arg6 : memref<10240xf32, #tpu.memory_space<vmem>>) dst(%dma_wait3A_16 : memref<10240xf32, #tpu.memory_space<hbm>>)
      tpu.yield
    }) : () -> ()
    return
  }
}

#map = affine_map<(d0, d1) -> (0, 0)>
#map1 = affine_map<(d0, d1) -> (0, 0, 0, 0)>
#map2 = affine_map<(d0, d1) -> (0, 0, 0)>
module attributes {stable_mosaic.version = 14 : i64} {
  func.func @_scatter_kernel(%arg0: i32, %arg1: i32, %arg2: memref<10240x128xf32, #tpu.memory_space<hbm>>, %arg3: memref<32x80x2x125xi32, #tpu.memory_space<hbm>>, %arg4: memref<640x128xf32, #tpu.memory_space<hbm>>, %arg5: memref<2x10240x128xf32, #tpu.memory_space<hbm>>, %arg6: memref<2x125xi32, #tpu.memory_space<vmem>>, %arg7: memref<2x125xi32, #tpu.memory_space<vmem>>, %arg8: memref<2x125xi32, #tpu.memory_space<vmem>>, %arg9: memref<2x125xi32, #tpu.memory_space<vmem>>, %arg10: memref<125x128xf32, #tpu.memory_space<vmem>>, %arg11: memref<125x128xf32, #tpu.memory_space<vmem>>, %arg12: memref<10240x128xf32, #tpu.memory_space<vmem_shared>>, %arg13: memref<!tpu.dma_semaphore, #tpu.memory_space<semaphore_mem>>, %arg14: memref<!tpu.dma_semaphore, #tpu.memory_space<semaphore_mem>>, %arg15: memref<!tpu.dma_semaphore, #tpu.memory_space<semaphore_mem>>, %arg16: memref<!tpu.dma_semaphore, #tpu.memory_space<semaphore_mem>>, %arg17: memref<!tpu.dma_semaphore, #tpu.memory_space<semaphore_mem>>, %arg18: memref<!tpu.dma_semaphore, #tpu.memory_space<semaphore_mem>>) attributes {dimension_semantics = [#tpu.dimension_semantics<core_parallel>, #tpu.dimension_semantics<subcore_parallel>], iteration_bounds = array<i64: 2, 16>, scalar_prefetch = 0 : i64, scratch_operands = 13 : i64, tpu.core_type = #tpu.core_type<sc_vector_subcore>, window_params = [{transform_indices = #map}, {transform_indices = #map1}, {transform_indices = #map}, {transform_indices = #map2}]} {
    %mul3A = arith.constant 16 : i32
    %mul3A_0 = arith.muli %arg0, %mul3A : i32
    %add3A = arith.addi %mul3A_0, %arg1 : i32
    %dma_start3A = arith.constant 0 : i32
    %dma_start3A_1 = arith.constant 0 : i32
    %dma_start3A_2 = arith.constant 0 : i32
    %dma_start3A_3 = tpu.memref_slice %arg3[%add3A, %dma_start3A, %dma_start3A_1, %dma_start3A_2] : memref<32x80x2x125xi32, #tpu.memory_space<hbm>> -> memref<1x1x2x125xi32, #tpu.memory_space<hbm>>
    %dma_start3A_4 = tpu.memref_squeeze %dma_start3A_3 : memref<1x1x2x125xi32, #tpu.memory_space<hbm>> -> memref<2x125xi32, #tpu.memory_space<hbm>>
    %dma_start3A_5 = arith.constant 0 : i32
    %dma_start3A_6 = arith.constant 0 : i32
    %dma_start3A_7 = tpu.memref_slice %arg3[%add3A, %dma_start3A, %dma_start3A_5, %dma_start3A_6] : memref<32x80x2x125xi32, #tpu.memory_space<hbm>> -> memref<1x1x2x125xi32, #tpu.memory_space<hbm>>
    %dma_start3A_8 = tpu.memref_squeeze %dma_start3A_7 : memref<1x1x2x125xi32, #tpu.memory_space<hbm>> -> memref<2x125xi32, #tpu.memory_space<hbm>>
    tpu.enqueue_dma source(%dma_start3A_8 : memref<2x125xi32, #tpu.memory_space<hbm>>) target(%arg6 : memref<2x125xi32, #tpu.memory_space<vmem>>) target_semaphore(%arg13 : memref<!tpu.dma_semaphore, #tpu.memory_space<semaphore_mem>>)
    %dma_start3A_9 = arith.constant 1 : i32
    %dma_start3A_10 = arith.constant 0 : i32
    %dma_start3A_11 = arith.constant 0 : i32
    %dma_start3A_12 = tpu.memref_slice %arg3[%add3A, %dma_start3A_9, %dma_start3A_10, %dma_start3A_11] : memref<32x80x2x125xi32, #tpu.memory_space<hbm>> -> memref<1x1x2x125xi32, #tpu.memory_space<hbm>>
    %dma_start3A_13 = tpu.memref_squeeze %dma_start3A_12 : memref<1x1x2x125xi32, #tpu.memory_space<hbm>> -> memref<2x125xi32, #tpu.memory_space<hbm>>
    %dma_start3A_14 = arith.constant 0 : i32
    %dma_start3A_15 = arith.constant 0 : i32
    %dma_start3A_16 = tpu.memref_slice %arg3[%add3A, %dma_start3A_9, %dma_start3A_14, %dma_start3A_15] : memref<32x80x2x125xi32, #tpu.memory_space<hbm>> -> memref<1x1x2x125xi32, #tpu.memory_space<hbm>>
    %dma_start3A_17 = tpu.memref_squeeze %dma_start3A_16 : memref<1x1x2x125xi32, #tpu.memory_space<hbm>> -> memref<2x125xi32, #tpu.memory_space<hbm>>
    tpu.enqueue_dma source(%dma_start3A_17 : memref<2x125xi32, #tpu.memory_space<hbm>>) target(%arg7 : memref<2x125xi32, #tpu.memory_space<vmem>>) target_semaphore(%arg14 : memref<!tpu.dma_semaphore, #tpu.memory_space<semaphore_mem>>)
    %dma_start3A_18 = arith.constant 2 : i32
    %dma_start3A_19 = arith.constant 0 : i32
    %dma_start3A_20 = arith.constant 0 : i32
    %dma_start3A_21 = tpu.memref_slice %arg3[%add3A, %dma_start3A_18, %dma_start3A_19, %dma_start3A_20] : memref<32x80x2x125xi32, #tpu.memory_space<hbm>> -> memref<1x1x2x125xi32, #tpu.memory_space<hbm>>
    %dma_start3A_22 = tpu.memref_squeeze %dma_start3A_21 : memref<1x1x2x125xi32, #tpu.memory_space<hbm>> -> memref<2x125xi32, #tpu.memory_space<hbm>>
    %dma_start3A_23 = arith.constant 0 : i32
    %dma_start3A_24 = arith.constant 0 : i32
    %dma_start3A_25 = tpu.memref_slice %arg3[%add3A, %dma_start3A_18, %dma_start3A_23, %dma_start3A_24] : memref<32x80x2x125xi32, #tpu.memory_space<hbm>> -> memref<1x1x2x125xi32, #tpu.memory_space<hbm>>
    %dma_start3A_26 = tpu.memref_squeeze %dma_start3A_25 : memref<1x1x2x125xi32, #tpu.memory_space<hbm>> -> memref<2x125xi32, #tpu.memory_space<hbm>>
    tpu.enqueue_dma source(%dma_start3A_26 : memref<2x125xi32, #tpu.memory_space<hbm>>) target(%arg8 : memref<2x125xi32, #tpu.memory_space<vmem>>) target_semaphore(%arg15 : memref<!tpu.dma_semaphore, #tpu.memory_space<semaphore_mem>>)
    %dma_start3A_27 = arith.constant 3 : i32
    %dma_start3A_28 = arith.constant 0 : i32
    %dma_start3A_29 = arith.constant 0 : i32
    %dma_start3A_30 = tpu.memref_slice %arg3[%add3A, %dma_start3A_27, %dma_start3A_28, %dma_start3A_29] : memref<32x80x2x125xi32, #tpu.memory_space<hbm>> -> memref<1x1x2x125xi32, #tpu.memory_space<hbm>>
    %dma_start3A_31 = tpu.memref_squeeze %dma_start3A_30 : memref<1x1x2x125xi32, #tpu.memory_space<hbm>> -> memref<2x125xi32, #tpu.memory_space<hbm>>
    %dma_start3A_32 = arith.constant 0 : i32
    %dma_start3A_33 = arith.constant 0 : i32
    %dma_start3A_34 = tpu.memref_slice %arg3[%add3A, %dma_start3A_27, %dma_start3A_32, %dma_start3A_33] : memref<32x80x2x125xi32, #tpu.memory_space<hbm>> -> memref<1x1x2x125xi32, #tpu.memory_space<hbm>>
    %dma_start3A_35 = tpu.memref_squeeze %dma_start3A_34 : memref<1x1x2x125xi32, #tpu.memory_space<hbm>> -> memref<2x125xi32, #tpu.memory_space<hbm>>
    tpu.enqueue_dma source(%dma_start3A_35 : memref<2x125xi32, #tpu.memory_space<hbm>>) target(%arg9 : memref<2x125xi32, #tpu.memory_space<vmem>>) target_semaphore(%arg16 : memref<!tpu.dma_semaphore, #tpu.memory_space<semaphore_mem>>)
    %eq3A = arith.constant 0 : i32
    %eq3A_36 = arith.cmpi eq, %arg0, %eq3A : i32
    %convert_element_type3A = arith.extui %eq3A_36 : i1 to i32
    %cond3A = arith.constant 0 : i32
    %cond3A_37 = arith.cmpi ne, %convert_element_type3A, %cond3A : i32
    scf.if %cond3A_37 {
      %mul3A_83 = arith.constant 640 : i32
      %mul3A_84 = arith.muli %arg1, %mul3A_83 : i32
      %mul3A_85 = arith.constant 640 : i32
      %mul3A_86 = arith.muli %arg1, %mul3A_85 : i32
      "tpu.region"() ({
        %run_scoped3A = tpu.sem_alloc : memref<!tpu.dma_semaphore, #tpu.memory_space<semaphore_mem>>
        %dma_start3A_87 = arith.constant 0 : i32
        %dma_start3A_88 = tpu.memref_slice %arg12[%mul3A_86, %dma_start3A_87] : memref<10240x128xf32, #tpu.memory_space<vmem_shared>> -> memref<640x128xf32, #tpu.memory_space<vmem_shared>>
        %dma_start3A_89 = arith.constant 0 : i32
        %dma_start3A_90 = tpu.memref_slice %arg2[%mul3A_84, %dma_start3A_89] : memref<10240x128xf32, #tpu.memory_space<hbm>> -> memref<640x128xf32, #tpu.memory_space<hbm>>
        tpu.enqueue_dma source(%dma_start3A_90 : memref<640x128xf32, #tpu.memory_space<hbm>>) target(%dma_start3A_88 : memref<640x128xf32, #tpu.memory_space<vmem_shared>>) target_semaphore(%run_scoped3A : memref<!tpu.dma_semaphore, #tpu.memory_space<semaphore_mem>>)
        %dma_wait3A_91 = arith.constant 0 : i32
        %dma_wait3A_92 = tpu.memref_slice %arg12[%mul3A_86, %dma_wait3A_91] : memref<10240x128xf32, #tpu.memory_space<vmem_shared>> -> memref<640x128xf32, #tpu.memory_space<vmem_shared>>
        %dma_wait3A_93 = arith.constant 0 : i32
        %dma_wait3A_94 = tpu.memref_slice %arg2[%mul3A_84, %dma_wait3A_93] : memref<10240x128xf32, #tpu.memory_space<hbm>> -> memref<640x128xf32, #tpu.memory_space<hbm>>
        tpu.wait_dma2 semaphore(%run_scoped3A : memref<!tpu.dma_semaphore, #tpu.memory_space<semaphore_mem>>) src(%dma_wait3A_94 : memref<640x128xf32, #tpu.memory_space<hbm>>) dst(%dma_wait3A_92 : memref<640x128xf32, #tpu.memory_space<vmem_shared>>)
        tpu.yield
      }) : () -> ()
    } else {
    }
    %ne3A = arith.constant 0 : i32
    %ne3A_38 = arith.cmpi ne, %arg0, %ne3A : i32
    %convert_element_type3A_39 = arith.extui %ne3A_38 : i1 to i32
    %cond3A_40 = arith.constant 0 : i32
    %cond3A_41 = arith.cmpi ne, %convert_element_type3A_39, %cond3A_40 : i32
    scf.if %cond3A_41 {
      %mul3A_83 = arith.constant 640 : i32
      %mul3A_84 = arith.muli %arg1, %mul3A_83 : i32
      "tpu.region"() ({
        %run_scoped3A = tpu.sem_alloc : memref<!tpu.dma_semaphore, #tpu.memory_space<semaphore_mem>>
        %dma_start3A_85 = arith.constant 0 : i32
        %dma_start3A_86 = tpu.memref_slice %arg12[%mul3A_84, %dma_start3A_85] : memref<10240x128xf32, #tpu.memory_space<vmem_shared>> -> memref<640x128xf32, #tpu.memory_space<vmem_shared>>
        tpu.enqueue_dma source(%arg4 : memref<640x128xf32, #tpu.memory_space<hbm>>) target(%dma_start3A_86 : memref<640x128xf32, #tpu.memory_space<vmem_shared>>) target_semaphore(%run_scoped3A : memref<!tpu.dma_semaphore, #tpu.memory_space<semaphore_mem>>)
        %dma_wait3A_87 = arith.constant 0 : i32
        %dma_wait3A_88 = tpu.memref_slice %arg12[%mul3A_84, %dma_wait3A_87] : memref<10240x128xf32, #tpu.memory_space<vmem_shared>> -> memref<640x128xf32, #tpu.memory_space<vmem_shared>>
        tpu.wait_dma2 semaphore(%run_scoped3A : memref<!tpu.dma_semaphore, #tpu.memory_space<semaphore_mem>>) src(%arg4 : memref<640x128xf32, #tpu.memory_space<hbm>>) dst(%dma_wait3A_88 : memref<640x128xf32, #tpu.memory_space<vmem_shared>>)
        tpu.yield
      }) : () -> ()
    } else {
    }
    %dma_wait3A = arith.constant 0 : i32
    %dma_wait3A_42 = arith.constant 0 : i32
    %dma_wait3A_43 = arith.constant 0 : i32
    %dma_wait3A_44 = tpu.memref_slice %arg3[%add3A, %dma_wait3A, %dma_wait3A_42, %dma_wait3A_43] : memref<32x80x2x125xi32, #tpu.memory_space<hbm>> -> memref<1x1x2x125xi32, #tpu.memory_space<hbm>>
    %dma_wait3A_45 = tpu.memref_squeeze %dma_wait3A_44 : memref<1x1x2x125xi32, #tpu.memory_space<hbm>> -> memref<2x125xi32, #tpu.memory_space<hbm>>
    %dma_wait3A_46 = arith.constant 0 : i32
    %dma_wait3A_47 = arith.constant 0 : i32
    %dma_wait3A_48 = tpu.memref_slice %arg3[%add3A, %dma_wait3A, %dma_wait3A_46, %dma_wait3A_47] : memref<32x80x2x125xi32, #tpu.memory_space<hbm>> -> memref<1x1x2x125xi32, #tpu.memory_space<hbm>>
    %dma_wait3A_49 = tpu.memref_squeeze %dma_wait3A_48 : memref<1x1x2x125xi32, #tpu.memory_space<hbm>> -> memref<2x125xi32, #tpu.memory_space<hbm>>
    tpu.wait_dma2 semaphore(%arg13 : memref<!tpu.dma_semaphore, #tpu.memory_space<semaphore_mem>>) src(%dma_wait3A_49 : memref<2x125xi32, #tpu.memory_space<hbm>>) dst(%arg6 : memref<2x125xi32, #tpu.memory_space<vmem>>)
    %dma_start3A_50 = arith.constant 0 : i32
    %dma_start3A_51 = arith.constant 0 : i32
    %dma_start3A_52 = tpu.memref_slice %arg6[%dma_start3A_50, %dma_start3A_51] : memref<2x125xi32, #tpu.memory_space<vmem>> -> memref<1x125xi32, #tpu.memory_space<vmem>>
    %dma_start3A_53 = tpu.memref_squeeze %dma_start3A_52 : memref<1x125xi32, #tpu.memory_space<vmem>> -> memref<125xi32, #tpu.memory_space<vmem>>
    %dma_start3A_54 = arith.constant 0 : i32
    %dma_start3A_55 = arith.constant 0 : i32
    %dma_start3A_56 = tpu.memref_slice %arg2[%dma_start3A_54, %dma_start3A_55] : memref<10240x128xf32, #tpu.memory_space<hbm>> -> memref<10240x128xf32, #tpu.memory_space<hbm>>
    tpu.enqueue_indirect_dma source(%dma_start3A_56 : memref<10240x128xf32, #tpu.memory_space<hbm>>) target(%arg10 : memref<125x128xf32, #tpu.memory_space<vmem>>) offsets(%dma_start3A_53 : memref<125xi32, #tpu.memory_space<vmem>>) semaphore(%arg17 : memref<!tpu.dma_semaphore, #tpu.memory_space<semaphore_mem>>)
    %dma_wait3A_57 = arith.constant 1 : i32
    %dma_wait3A_58 = arith.constant 0 : i32
    %dma_wait3A_59 = arith.constant 0 : i32
    %dma_wait3A_60 = tpu.memref_slice %arg3[%add3A, %dma_wait3A_57, %dma_wait3A_58, %dma_wait3A_59] : memref<32x80x2x125xi32, #tpu.memory_space<hbm>> -> memref<1x1x2x125xi32, #tpu.memory_space<hbm>>
    %dma_wait3A_61 = tpu.memref_squeeze %dma_wait3A_60 : memref<1x1x2x125xi32, #tpu.memory_space<hbm>> -> memref<2x125xi32, #tpu.memory_space<hbm>>
    %dma_wait3A_62 = arith.constant 0 : i32
    %dma_wait3A_63 = arith.constant 0 : i32
    %dma_wait3A_64 = tpu.memref_slice %arg3[%add3A, %dma_wait3A_57, %dma_wait3A_62, %dma_wait3A_63] : memref<32x80x2x125xi32, #tpu.memory_space<hbm>> -> memref<1x1x2x125xi32, #tpu.memory_space<hbm>>
    %dma_wait3A_65 = tpu.memref_squeeze %dma_wait3A_64 : memref<1x1x2x125xi32, #tpu.memory_space<hbm>> -> memref<2x125xi32, #tpu.memory_space<hbm>>
    tpu.wait_dma2 semaphore(%arg14 : memref<!tpu.dma_semaphore, #tpu.memory_space<semaphore_mem>>) src(%dma_wait3A_65 : memref<2x125xi32, #tpu.memory_space<hbm>>) dst(%arg7 : memref<2x125xi32, #tpu.memory_space<vmem>>)
    %dma_start3A_66 = arith.constant 0 : i32
    %dma_start3A_67 = arith.constant 0 : i32
    %dma_start3A_68 = tpu.memref_slice %arg7[%dma_start3A_66, %dma_start3A_67] : memref<2x125xi32, #tpu.memory_space<vmem>> -> memref<1x125xi32, #tpu.memory_space<vmem>>
    %dma_start3A_69 = tpu.memref_squeeze %dma_start3A_68 : memref<1x125xi32, #tpu.memory_space<vmem>> -> memref<125xi32, #tpu.memory_space<vmem>>
    %dma_start3A_70 = arith.constant 0 : i32
    %dma_start3A_71 = arith.constant 0 : i32
    %dma_start3A_72 = tpu.memref_slice %arg2[%dma_start3A_70, %dma_start3A_71] : memref<10240x128xf32, #tpu.memory_space<hbm>> -> memref<10240x128xf32, #tpu.memory_space<hbm>>
    tpu.enqueue_indirect_dma source(%dma_start3A_72 : memref<10240x128xf32, #tpu.memory_space<hbm>>) target(%arg11 : memref<125x128xf32, #tpu.memory_space<vmem>>) offsets(%dma_start3A_69 : memref<125xi32, #tpu.memory_space<vmem>>) semaphore(%arg18 : memref<!tpu.dma_semaphore, #tpu.memory_space<semaphore_mem>>)
    %barrier3A = arith.constant 0 : index
    tpu.barrier barrier_id(%barrier3A)
    %scan3A = arith.constant 0 : i32
    %scan3A_73 = arith.constant 0 : i32
    %scan3A_74 = arith.constant 20 : i32
    %scan3A_75 = arith.addi %scan3A_73, %scan3A_74 : i32
    %scan3A_76 = arith.constant 1 : i32
    scf.for %scan3A_83 = %scan3A_73 to %scan3A_75 step %scan3A_76  : i32 {
      %mul3A_84 = arith.constant 4 : i32
      %mul3A_85 = arith.muli %mul3A_84, %scan3A_83 : i32
      %add3A_86 = arith.constant 0 : i32
      %add3A_87 = arith.addi %mul3A_85, %add3A_86 : i32
      %dma_wait3A_88 = arith.constant 0 : i32
      %dma_wait3A_89 = arith.constant 0 : i32
      %dma_wait3A_90 = tpu.memref_slice %arg6[%dma_wait3A_88, %dma_wait3A_89] : memref<2x125xi32, #tpu.memory_space<vmem>> -> memref<1x125xi32, #tpu.memory_space<vmem>>
      %dma_wait3A_91 = tpu.memref_squeeze %dma_wait3A_90 : memref<1x125xi32, #tpu.memory_space<vmem>> -> memref<125xi32, #tpu.memory_space<vmem>>
      %dma_wait3A_92 = arith.constant 0 : i32
      %dma_wait3A_93 = arith.constant 0 : i32
      %dma_wait3A_94 = tpu.memref_slice %arg2[%dma_wait3A_92, %dma_wait3A_93] : memref<10240x128xf32, #tpu.memory_space<hbm>> -> memref<10240x128xf32, #tpu.memory_space<hbm>>
      tpu.wait_indirect_dma semaphore(%arg17 : memref<!tpu.dma_semaphore, #tpu.memory_space<semaphore_mem>>) src(%dma_wait3A_94 : memref<10240x128xf32, #tpu.memory_space<hbm>>) dst(%arg10 : memref<125x128xf32, #tpu.memory_space<vmem>>)
      %run_scoped3A = arith.constant 1 : i32
      "tpu.region"() ({
        %run_scoped3A_186 = tpu.sem_alloc : memref<!tpu.dma_semaphore, #tpu.memory_space<semaphore_mem>>
        %dma_start3A_187 = arith.constant 0 : i32
        %dma_start3A_188 = tpu.memref_slice %arg6[%run_scoped3A, %dma_start3A_187] : memref<2x125xi32, #tpu.memory_space<vmem>> -> memref<1x125xi32, #tpu.memory_space<vmem>>
        %dma_start3A_189 = tpu.memref_squeeze %dma_start3A_188 : memref<1x125xi32, #tpu.memory_space<vmem>> -> memref<125xi32, #tpu.memory_space<vmem>>
        %dma_start3A_190 = arith.constant 0 : i32
        %dma_start3A_191 = arith.constant 0 : i32
        %dma_start3A_192 = tpu.memref_slice %arg12[%dma_start3A_190, %dma_start3A_191] : memref<10240x128xf32, #tpu.memory_space<vmem_shared>> -> memref<10240x128xf32, #tpu.memory_space<vmem_shared>>
        tpu.enqueue_indirect_dma source(%arg10 : memref<125x128xf32, #tpu.memory_space<vmem>>) target(%dma_start3A_192 : memref<10240x128xf32, #tpu.memory_space<vmem_shared>>) offsets(%dma_start3A_189 : memref<125xi32, #tpu.memory_space<vmem>>) semaphore(%run_scoped3A_186 : memref<!tpu.dma_semaphore, #tpu.memory_space<semaphore_mem>>) {add = true}
        %dma_wait3A_193 = arith.constant 0 : i32
        %dma_wait3A_194 = tpu.memref_slice %arg6[%run_scoped3A, %dma_wait3A_193] : memref<2x125xi32, #tpu.memory_space<vmem>> -> memref<1x125xi32, #tpu.memory_space<vmem>>
        %dma_wait3A_195 = tpu.memref_squeeze %dma_wait3A_194 : memref<1x125xi32, #tpu.memory_space<vmem>> -> memref<125xi32, #tpu.memory_space<vmem>>
        %dma_wait3A_196 = arith.constant 0 : i32
        %dma_wait3A_197 = arith.constant 0 : i32
        %dma_wait3A_198 = tpu.memref_slice %arg12[%dma_wait3A_196, %dma_wait3A_197] : memref<10240x128xf32, #tpu.memory_space<vmem_shared>> -> memref<10240x128xf32, #tpu.memory_space<vmem_shared>>
        tpu.wait_indirect_dma semaphore(%run_scoped3A_186 : memref<!tpu.dma_semaphore, #tpu.memory_space<semaphore_mem>>) src(%arg10 : memref<125x128xf32, #tpu.memory_space<vmem>>) dst(%dma_wait3A_198 : memref<10240x128xf32, #tpu.memory_space<vmem_shared>>)
        tpu.yield
      }) : () -> ()
      %add3A_95 = arith.constant 4 : i32
      %add3A_96 = arith.addi %add3A_87, %add3A_95 : i32
      %lt3A = arith.constant 80 : i32
      %lt3A_97 = arith.cmpi slt, %add3A_96, %lt3A : i32
      %convert_element_type3A_98 = arith.extui %lt3A_97 : i1 to i32
      %cond3A_99 = arith.constant 0 : i32
      %cond3A_100 = arith.cmpi ne, %convert_element_type3A_98, %cond3A_99 : i32
      scf.if %cond3A_100 {
        %add3A_186 = arith.constant 4 : i32
        %add3A_187 = arith.addi %add3A_87, %add3A_186 : i32
        %dma_start3A_188 = arith.constant 0 : i32
        %dma_start3A_189 = arith.constant 0 : i32
        %dma_start3A_190 = tpu.memref_slice %arg3[%add3A, %add3A_187, %dma_start3A_188, %dma_start3A_189] : memref<32x80x2x125xi32, #tpu.memory_space<hbm>> -> memref<1x1x2x125xi32, #tpu.memory_space<hbm>>
        %dma_start3A_191 = tpu.memref_squeeze %dma_start3A_190 : memref<1x1x2x125xi32, #tpu.memory_space<hbm>> -> memref<2x125xi32, #tpu.memory_space<hbm>>
        %dma_start3A_192 = arith.constant 0 : i32
        %dma_start3A_193 = arith.constant 0 : i32
        %dma_start3A_194 = tpu.memref_slice %arg3[%add3A, %add3A_187, %dma_start3A_192, %dma_start3A_193] : memref<32x80x2x125xi32, #tpu.memory_space<hbm>> -> memref<1x1x2x125xi32, #tpu.memory_space<hbm>>
        %dma_start3A_195 = tpu.memref_squeeze %dma_start3A_194 : memref<1x1x2x125xi32, #tpu.memory_space<hbm>> -> memref<2x125xi32, #tpu.memory_space<hbm>>
        tpu.enqueue_dma source(%dma_start3A_195 : memref<2x125xi32, #tpu.memory_space<hbm>>) target(%arg6 : memref<2x125xi32, #tpu.memory_space<vmem>>) target_semaphore(%arg13 : memref<!tpu.dma_semaphore, #tpu.memory_space<semaphore_mem>>)
      } else {
      }
      %add3A_101 = arith.constant 2 : i32
      %add3A_102 = arith.addi %add3A_87, %add3A_101 : i32
      %lt3A_103 = arith.constant 80 : i32
      %lt3A_104 = arith.cmpi slt, %add3A_102, %lt3A_103 : i32
      %convert_element_type3A_105 = arith.extui %lt3A_104 : i1 to i32
      %cond3A_106 = arith.constant 0 : i32
      %cond3A_107 = arith.cmpi ne, %convert_element_type3A_105, %cond3A_106 : i32
      scf.if %cond3A_107 {
        %add3A_186 = arith.constant 2 : i32
        %add3A_187 = arith.addi %add3A_87, %add3A_186 : i32
        %dma_wait3A_188 = arith.constant 0 : i32
        %dma_wait3A_189 = arith.constant 0 : i32
        %dma_wait3A_190 = tpu.memref_slice %arg3[%add3A, %add3A_187, %dma_wait3A_188, %dma_wait3A_189] : memref<32x80x2x125xi32, #tpu.memory_space<hbm>> -> memref<1x1x2x125xi32, #tpu.memory_space<hbm>>
        %dma_wait3A_191 = tpu.memref_squeeze %dma_wait3A_190 : memref<1x1x2x125xi32, #tpu.memory_space<hbm>> -> memref<2x125xi32, #tpu.memory_space<hbm>>
        %dma_wait3A_192 = arith.constant 0 : i32
        %dma_wait3A_193 = arith.constant 0 : i32
        %dma_wait3A_194 = tpu.memref_slice %arg3[%add3A, %add3A_187, %dma_wait3A_192, %dma_wait3A_193] : memref<32x80x2x125xi32, #tpu.memory_space<hbm>> -> memref<1x1x2x125xi32, #tpu.memory_space<hbm>>
        %dma_wait3A_195 = tpu.memref_squeeze %dma_wait3A_194 : memref<1x1x2x125xi32, #tpu.memory_space<hbm>> -> memref<2x125xi32, #tpu.memory_space<hbm>>
        tpu.wait_dma2 semaphore(%arg15 : memref<!tpu.dma_semaphore, #tpu.memory_space<semaphore_mem>>) src(%dma_wait3A_195 : memref<2x125xi32, #tpu.memory_space<hbm>>) dst(%arg8 : memref<2x125xi32, #tpu.memory_space<vmem>>)
        %dma_start3A_196 = arith.constant 0 : i32
        %dma_start3A_197 = arith.constant 0 : i32
        %dma_start3A_198 = tpu.memref_slice %arg8[%dma_start3A_196, %dma_start3A_197] : memref<2x125xi32, #tpu.memory_space<vmem>> -> memref<1x125xi32, #tpu.memory_space<vmem>>
        %dma_start3A_199 = tpu.memref_squeeze %dma_start3A_198 : memref<1x125xi32, #tpu.memory_space<vmem>> -> memref<125xi32, #tpu.memory_space<vmem>>
        %dma_start3A_200 = arith.constant 0 : i32
        %dma_start3A_201 = arith.constant 0 : i32
        %dma_start3A_202 = tpu.memref_slice %arg2[%dma_start3A_200, %dma_start3A_201] : memref<10240x128xf32, #tpu.memory_space<hbm>> -> memref<10240x128xf32, #tpu.memory_space<hbm>>
        tpu.enqueue_indirect_dma source(%dma_start3A_202 : memref<10240x128xf32, #tpu.memory_space<hbm>>) target(%arg10 : memref<125x128xf32, #tpu.memory_space<vmem>>) offsets(%dma_start3A_199 : memref<125xi32, #tpu.memory_space<vmem>>) semaphore(%arg17 : memref<!tpu.dma_semaphore, #tpu.memory_space<semaphore_mem>>)
      } else {
      }
      %mul3A_108 = arith.constant 4 : i32
      %mul3A_109 = arith.muli %mul3A_108, %scan3A_83 : i32
      %add3A_110 = arith.constant 1 : i32
      %add3A_111 = arith.addi %mul3A_109, %add3A_110 : i32
      %dma_wait3A_112 = arith.constant 0 : i32
      %dma_wait3A_113 = arith.constant 0 : i32
      %dma_wait3A_114 = tpu.memref_slice %arg7[%dma_wait3A_112, %dma_wait3A_113] : memref<2x125xi32, #tpu.memory_space<vmem>> -> memref<1x125xi32, #tpu.memory_space<vmem>>
      %dma_wait3A_115 = tpu.memref_squeeze %dma_wait3A_114 : memref<1x125xi32, #tpu.memory_space<vmem>> -> memref<125xi32, #tpu.memory_space<vmem>>
      %dma_wait3A_116 = arith.constant 0 : i32
      %dma_wait3A_117 = arith.constant 0 : i32
      %dma_wait3A_118 = tpu.memref_slice %arg2[%dma_wait3A_116, %dma_wait3A_117] : memref<10240x128xf32, #tpu.memory_space<hbm>> -> memref<10240x128xf32, #tpu.memory_space<hbm>>
      tpu.wait_indirect_dma semaphore(%arg18 : memref<!tpu.dma_semaphore, #tpu.memory_space<semaphore_mem>>) src(%dma_wait3A_118 : memref<10240x128xf32, #tpu.memory_space<hbm>>) dst(%arg11 : memref<125x128xf32, #tpu.memory_space<vmem>>)
      %run_scoped3A_119 = arith.constant 1 : i32
      "tpu.region"() ({
        %run_scoped3A_186 = tpu.sem_alloc : memref<!tpu.dma_semaphore, #tpu.memory_space<semaphore_mem>>
        %dma_start3A_187 = arith.constant 0 : i32
        %dma_start3A_188 = tpu.memref_slice %arg7[%run_scoped3A_119, %dma_start3A_187] : memref<2x125xi32, #tpu.memory_space<vmem>> -> memref<1x125xi32, #tpu.memory_space<vmem>>
        %dma_start3A_189 = tpu.memref_squeeze %dma_start3A_188 : memref<1x125xi32, #tpu.memory_space<vmem>> -> memref<125xi32, #tpu.memory_space<vmem>>
        %dma_start3A_190 = arith.constant 0 : i32
        %dma_start3A_191 = arith.constant 0 : i32
        %dma_start3A_192 = tpu.memref_slice %arg12[%dma_start3A_190, %dma_start3A_191] : memref<10240x128xf32, #tpu.memory_space<vmem_shared>> -> memref<10240x128xf32, #tpu.memory_space<vmem_shared>>
        tpu.enqueue_indirect_dma source(%arg11 : memref<125x128xf32, #tpu.memory_space<vmem>>) target(%dma_start3A_192 : memref<10240x128xf32, #tpu.memory_space<vmem_shared>>) offsets(%dma_start3A_189 : memref<125xi32, #tpu.memory_space<vmem>>) semaphore(%run_scoped3A_186 : memref<!tpu.dma_semaphore, #tpu.memory_space<semaphore_mem>>) {add = true}
        %dma_wait3A_193 = arith.constant 0 : i32
        %dma_wait3A_194 = tpu.memref_slice %arg7[%run_scoped3A_119, %dma_wait3A_193] : memref<2x125xi32, #tpu.memory_space<vmem>> -> memref<1x125xi32, #tpu.memory_space<vmem>>
        %dma_wait3A_195 = tpu.memref_squeeze %dma_wait3A_194 : memref<1x125xi32, #tpu.memory_space<vmem>> -> memref<125xi32, #tpu.memory_space<vmem>>
        %dma_wait3A_196 = arith.constant 0 : i32
        %dma_wait3A_197 = arith.constant 0 : i32
        %dma_wait3A_198 = tpu.memref_slice %arg12[%dma_wait3A_196, %dma_wait3A_197] : memref<10240x128xf32, #tpu.memory_space<vmem_shared>> -> memref<10240x128xf32, #tpu.memory_space<vmem_shared>>
        tpu.wait_indirect_dma semaphore(%run_scoped3A_186 : memref<!tpu.dma_semaphore, #tpu.memory_space<semaphore_mem>>) src(%arg11 : memref<125x128xf32, #tpu.memory_space<vmem>>) dst(%dma_wait3A_198 : memref<10240x128xf32, #tpu.memory_space<vmem_shared>>)
        tpu.yield
      }) : () -> ()
      %add3A_120 = arith.constant 4 : i32
      %add3A_121 = arith.addi %add3A_111, %add3A_120 : i32
      %lt3A_122 = arith.constant 80 : i32
      %lt3A_123 = arith.cmpi slt, %add3A_121, %lt3A_122 : i32
      %convert_element_type3A_124 = arith.extui %lt3A_123 : i1 to i32
      %cond3A_125 = arith.constant 0 : i32
      %cond3A_126 = arith.cmpi ne, %convert_element_type3A_124, %cond3A_125 : i32
      scf.if %cond3A_126 {
        %add3A_186 = arith.constant 4 : i32
        %add3A_187 = arith.addi %add3A_111, %add3A_186 : i32
        %dma_start3A_188 = arith.constant 0 : i32
        %dma_start3A_189 = arith.constant 0 : i32
        %dma_start3A_190 = tpu.memref_slice %arg3[%add3A, %add3A_187, %dma_start3A_188, %dma_start3A_189] : memref<32x80x2x125xi32, #tpu.memory_space<hbm>> -> memref<1x1x2x125xi32, #tpu.memory_space<hbm>>
        %dma_start3A_191 = tpu.memref_squeeze %dma_start3A_190 : memref<1x1x2x125xi32, #tpu.memory_space<hbm>> -> memref<2x125xi32, #tpu.memory_space<hbm>>
        %dma_start3A_192 = arith.constant 0 : i32
        %dma_start3A_193 = arith.constant 0 : i32
        %dma_start3A_194 = tpu.memref_slice %arg3[%add3A, %add3A_187, %dma_start3A_192, %dma_start3A_193] : memref<32x80x2x125xi32, #tpu.memory_space<hbm>> -> memref<1x1x2x125xi32, #tpu.memory_space<hbm>>
        %dma_start3A_195 = tpu.memref_squeeze %dma_start3A_194 : memref<1x1x2x125xi32, #tpu.memory_space<hbm>> -> memref<2x125xi32, #tpu.memory_space<hbm>>
        tpu.enqueue_dma source(%dma_start3A_195 : memref<2x125xi32, #tpu.memory_space<hbm>>) target(%arg7 : memref<2x125xi32, #tpu.memory_space<vmem>>) target_semaphore(%arg14 : memref<!tpu.dma_semaphore, #tpu.memory_space<semaphore_mem>>)
      } else {
      }
      %add3A_127 = arith.constant 2 : i32
      %add3A_128 = arith.addi %add3A_111, %add3A_127 : i32
      %lt3A_129 = arith.constant 80 : i32
      %lt3A_130 = arith.cmpi slt, %add3A_128, %lt3A_129 : i32
      %convert_element_type3A_131 = arith.extui %lt3A_130 : i1 to i32
      %cond3A_132 = arith.constant 0 : i32
      %cond3A_133 = arith.cmpi ne, %convert_element_type3A_131, %cond3A_132 : i32
      scf.if %cond3A_133 {
        %add3A_186 = arith.constant 2 : i32
        %add3A_187 = arith.addi %add3A_111, %add3A_186 : i32
        %dma_wait3A_188 = arith.constant 0 : i32
        %dma_wait3A_189 = arith.constant 0 : i32
        %dma_wait3A_190 = tpu.memref_slice %arg3[%add3A, %add3A_187, %dma_wait3A_188, %dma_wait3A_189] : memref<32x80x2x125xi32, #tpu.memory_space<hbm>> -> memref<1x1x2x125xi32, #tpu.memory_space<hbm>>
        %dma_wait3A_191 = tpu.memref_squeeze %dma_wait3A_190 : memref<1x1x2x125xi32, #tpu.memory_space<hbm>> -> memref<2x125xi32, #tpu.memory_space<hbm>>
        %dma_wait3A_192 = arith.constant 0 : i32
        %dma_wait3A_193 = arith.constant 0 : i32
        %dma_wait3A_194 = tpu.memref_slice %arg3[%add3A, %add3A_187, %dma_wait3A_192, %dma_wait3A_193] : memref<32x80x2x125xi32, #tpu.memory_space<hbm>> -> memref<1x1x2x125xi32, #tpu.memory_space<hbm>>
        %dma_wait3A_195 = tpu.memref_squeeze %dma_wait3A_194 : memref<1x1x2x125xi32, #tpu.memory_space<hbm>> -> memref<2x125xi32, #tpu.memory_space<hbm>>
        tpu.wait_dma2 semaphore(%arg16 : memref<!tpu.dma_semaphore, #tpu.memory_space<semaphore_mem>>) src(%dma_wait3A_195 : memref<2x125xi32, #tpu.memory_space<hbm>>) dst(%arg9 : memref<2x125xi32, #tpu.memory_space<vmem>>)
        %dma_start3A_196 = arith.constant 0 : i32
        %dma_start3A_197 = arith.constant 0 : i32
        %dma_start3A_198 = tpu.memref_slice %arg9[%dma_start3A_196, %dma_start3A_197] : memref<2x125xi32, #tpu.memory_space<vmem>> -> memref<1x125xi32, #tpu.memory_space<vmem>>
        %dma_start3A_199 = tpu.memref_squeeze %dma_start3A_198 : memref<1x125xi32, #tpu.memory_space<vmem>> -> memref<125xi32, #tpu.memory_space<vmem>>
        %dma_start3A_200 = arith.constant 0 : i32
        %dma_start3A_201 = arith.constant 0 : i32
        %dma_start3A_202 = tpu.memref_slice %arg2[%dma_start3A_200, %dma_start3A_201] : memref<10240x128xf32, #tpu.memory_space<hbm>> -> memref<10240x128xf32, #tpu.memory_space<hbm>>
        tpu.enqueue_indirect_dma source(%dma_start3A_202 : memref<10240x128xf32, #tpu.memory_space<hbm>>) target(%arg11 : memref<125x128xf32, #tpu.memory_space<vmem>>) offsets(%dma_start3A_199 : memref<125xi32, #tpu.memory_space<vmem>>) semaphore(%arg18 : memref<!tpu.dma_semaphore, #tpu.memory_space<semaphore_mem>>)
      } else {
      }
      %mul3A_134 = arith.constant 4 : i32
      %mul3A_135 = arith.muli %mul3A_134, %scan3A_83 : i32
      %add3A_136 = arith.constant 2 : i32
      %add3A_137 = arith.addi %mul3A_135, %add3A_136 : i32
      %dma_wait3A_138 = arith.constant 0 : i32
      %dma_wait3A_139 = arith.constant 0 : i32
      %dma_wait3A_140 = tpu.memref_slice %arg8[%dma_wait3A_138, %dma_wait3A_139] : memref<2x125xi32, #tpu.memory_space<vmem>> -> memref<1x125xi32, #tpu.memory_space<vmem>>
      %dma_wait3A_141 = tpu.memref_squeeze %dma_wait3A_140 : memref<1x125xi32, #tpu.memory_space<vmem>> -> memref<125xi32, #tpu.memory_space<vmem>>
      %dma_wait3A_142 = arith.constant 0 : i32
      %dma_wait3A_143 = arith.constant 0 : i32
      %dma_wait3A_144 = tpu.memref_slice %arg2[%dma_wait3A_142, %dma_wait3A_143] : memref<10240x128xf32, #tpu.memory_space<hbm>> -> memref<10240x128xf32, #tpu.memory_space<hbm>>
      tpu.wait_indirect_dma semaphore(%arg17 : memref<!tpu.dma_semaphore, #tpu.memory_space<semaphore_mem>>) src(%dma_wait3A_144 : memref<10240x128xf32, #tpu.memory_space<hbm>>) dst(%arg10 : memref<125x128xf32, #tpu.memory_space<vmem>>)
      %run_scoped3A_145 = arith.constant 1 : i32
      "tpu.region"() ({
        %run_scoped3A_186 = tpu.sem_alloc : memref<!tpu.dma_semaphore, #tpu.memory_space<semaphore_mem>>
        %dma_start3A_187 = arith.constant 0 : i32
        %dma_start3A_188 = tpu.memref_slice %arg8[%run_scoped3A_145, %dma_start3A_187] : memref<2x125xi32, #tpu.memory_space<vmem>> -> memref<1x125xi32, #tpu.memory_space<vmem>>
        %dma_start3A_189 = tpu.memref_squeeze %dma_start3A_188 : memref<1x125xi32, #tpu.memory_space<vmem>> -> memref<125xi32, #tpu.memory_space<vmem>>
        %dma_start3A_190 = arith.constant 0 : i32
        %dma_start3A_191 = arith.constant 0 : i32
        %dma_start3A_192 = tpu.memref_slice %arg12[%dma_start3A_190, %dma_start3A_191] : memref<10240x128xf32, #tpu.memory_space<vmem_shared>> -> memref<10240x128xf32, #tpu.memory_space<vmem_shared>>
        tpu.enqueue_indirect_dma source(%arg10 : memref<125x128xf32, #tpu.memory_space<vmem>>) target(%dma_start3A_192 : memref<10240x128xf32, #tpu.memory_space<vmem_shared>>) offsets(%dma_start3A_189 : memref<125xi32, #tpu.memory_space<vmem>>) semaphore(%run_scoped3A_186 : memref<!tpu.dma_semaphore, #tpu.memory_space<semaphore_mem>>) {add = true}
        %dma_wait3A_193 = arith.constant 0 : i32
        %dma_wait3A_194 = tpu.memref_slice %arg8[%run_scoped3A_145, %dma_wait3A_193] : memref<2x125xi32, #tpu.memory_space<vmem>> -> memref<1x125xi32, #tpu.memory_space<vmem>>
        %dma_wait3A_195 = tpu.memref_squeeze %dma_wait3A_194 : memref<1x125xi32, #tpu.memory_space<vmem>> -> memref<125xi32, #tpu.memory_space<vmem>>
        %dma_wait3A_196 = arith.constant 0 : i32
        %dma_wait3A_197 = arith.constant 0 : i32
        %dma_wait3A_198 = tpu.memref_slice %arg12[%dma_wait3A_196, %dma_wait3A_197] : memref<10240x128xf32, #tpu.memory_space<vmem_shared>> -> memref<10240x128xf32, #tpu.memory_space<vmem_shared>>
        tpu.wait_indirect_dma semaphore(%run_scoped3A_186 : memref<!tpu.dma_semaphore, #tpu.memory_space<semaphore_mem>>) src(%arg10 : memref<125x128xf32, #tpu.memory_space<vmem>>) dst(%dma_wait3A_198 : memref<10240x128xf32, #tpu.memory_space<vmem_shared>>)
        tpu.yield
      }) : () -> ()
      %add3A_146 = arith.constant 4 : i32
      %add3A_147 = arith.addi %add3A_137, %add3A_146 : i32
      %lt3A_148 = arith.constant 80 : i32
      %lt3A_149 = arith.cmpi slt, %add3A_147, %lt3A_148 : i32
      %convert_element_type3A_150 = arith.extui %lt3A_149 : i1 to i32
      %cond3A_151 = arith.constant 0 : i32
      %cond3A_152 = arith.cmpi ne, %convert_element_type3A_150, %cond3A_151 : i32
      scf.if %cond3A_152 {
        %add3A_186 = arith.constant 4 : i32
        %add3A_187 = arith.addi %add3A_137, %add3A_186 : i32
        %dma_start3A_188 = arith.constant 0 : i32
        %dma_start3A_189 = arith.constant 0 : i32
        %dma_start3A_190 = tpu.memref_slice %arg3[%add3A, %add3A_187, %dma_start3A_188, %dma_start3A_189] : memref<32x80x2x125xi32, #tpu.memory_space<hbm>> -> memref<1x1x2x125xi32, #tpu.memory_space<hbm>>
        %dma_start3A_191 = tpu.memref_squeeze %dma_start3A_190 : memref<1x1x2x125xi32, #tpu.memory_space<hbm>> -> memref<2x125xi32, #tpu.memory_space<hbm>>
        %dma_start3A_192 = arith.constant 0 : i32
        %dma_start3A_193 = arith.constant 0 : i32
        %dma_start3A_194 = tpu.memref_slice %arg3[%add3A, %add3A_187, %dma_start3A_192, %dma_start3A_193] : memref<32x80x2x125xi32, #tpu.memory_space<hbm>> -> memref<1x1x2x125xi32, #tpu.memory_space<hbm>>
        %dma_start3A_195 = tpu.memref_squeeze %dma_start3A_194 : memref<1x1x2x125xi32, #tpu.memory_space<hbm>> -> memref<2x125xi32, #tpu.memory_space<hbm>>
        tpu.enqueue_dma source(%dma_start3A_195 : memref<2x125xi32, #tpu.memory_space<hbm>>) target(%arg8 : memref<2x125xi32, #tpu.memory_space<vmem>>) target_semaphore(%arg15 : memref<!tpu.dma_semaphore, #tpu.memory_space<semaphore_mem>>)
      } else {
      }
      %add3A_153 = arith.constant 2 : i32
      %add3A_154 = arith.addi %add3A_137, %add3A_153 : i32
      %lt3A_155 = arith.constant 80 : i32
      %lt3A_156 = arith.cmpi slt, %add3A_154, %lt3A_155 : i32
      %convert_element_type3A_157 = arith.extui %lt3A_156 : i1 to i32
      %cond3A_158 = arith.constant 0 : i32
      %cond3A_159 = arith.cmpi ne, %convert_element_type3A_157, %cond3A_158 : i32
      scf.if %cond3A_159 {
        %add3A_186 = arith.constant 2 : i32
        %add3A_187 = arith.addi %add3A_137, %add3A_186 : i32
        %dma_wait3A_188 = arith.constant 0 : i32
        %dma_wait3A_189 = arith.constant 0 : i32
        %dma_wait3A_190 = tpu.memref_slice %arg3[%add3A, %add3A_187, %dma_wait3A_188, %dma_wait3A_189] : memref<32x80x2x125xi32, #tpu.memory_space<hbm>> -> memref<1x1x2x125xi32, #tpu.memory_space<hbm>>
        %dma_wait3A_191 = tpu.memref_squeeze %dma_wait3A_190 : memref<1x1x2x125xi32, #tpu.memory_space<hbm>> -> memref<2x125xi32, #tpu.memory_space<hbm>>
        %dma_wait3A_192 = arith.constant 0 : i32
        %dma_wait3A_193 = arith.constant 0 : i32
        %dma_wait3A_194 = tpu.memref_slice %arg3[%add3A, %add3A_187, %dma_wait3A_192, %dma_wait3A_193] : memref<32x80x2x125xi32, #tpu.memory_space<hbm>> -> memref<1x1x2x125xi32, #tpu.memory_space<hbm>>
        %dma_wait3A_195 = tpu.memref_squeeze %dma_wait3A_194 : memref<1x1x2x125xi32, #tpu.memory_space<hbm>> -> memref<2x125xi32, #tpu.memory_space<hbm>>
        tpu.wait_dma2 semaphore(%arg13 : memref<!tpu.dma_semaphore, #tpu.memory_space<semaphore_mem>>) src(%dma_wait3A_195 : memref<2x125xi32, #tpu.memory_space<hbm>>) dst(%arg6 : memref<2x125xi32, #tpu.memory_space<vmem>>)
        %dma_start3A_196 = arith.constant 0 : i32
        %dma_start3A_197 = arith.constant 0 : i32
        %dma_start3A_198 = tpu.memref_slice %arg6[%dma_start3A_196, %dma_start3A_197] : memref<2x125xi32, #tpu.memory_space<vmem>> -> memref<1x125xi32, #tpu.memory_space<vmem>>
        %dma_start3A_199 = tpu.memref_squeeze %dma_start3A_198 : memref<1x125xi32, #tpu.memory_space<vmem>> -> memref<125xi32, #tpu.memory_space<vmem>>
        %dma_start3A_200 = arith.constant 0 : i32
        %dma_start3A_201 = arith.constant 0 : i32
        %dma_start3A_202 = tpu.memref_slice %arg2[%dma_start3A_200, %dma_start3A_201] : memref<10240x128xf32, #tpu.memory_space<hbm>> -> memref<10240x128xf32, #tpu.memory_space<hbm>>
        tpu.enqueue_indirect_dma source(%dma_start3A_202 : memref<10240x128xf32, #tpu.memory_space<hbm>>) target(%arg10 : memref<125x128xf32, #tpu.memory_space<vmem>>) offsets(%dma_start3A_199 : memref<125xi32, #tpu.memory_space<vmem>>) semaphore(%arg17 : memref<!tpu.dma_semaphore, #tpu.memory_space<semaphore_mem>>)
      } else {
      }
      %mul3A_160 = arith.constant 4 : i32
      %mul3A_161 = arith.muli %mul3A_160, %scan3A_83 : i32
      %add3A_162 = arith.constant 3 : i32
      %add3A_163 = arith.addi %mul3A_161, %add3A_162 : i32
      %dma_wait3A_164 = arith.constant 0 : i32
      %dma_wait3A_165 = arith.constant 0 : i32
      %dma_wait3A_166 = tpu.memref_slice %arg9[%dma_wait3A_164, %dma_wait3A_165] : memref<2x125xi32, #tpu.memory_space<vmem>> -> memref<1x125xi32, #tpu.memory_space<vmem>>
      %dma_wait3A_167 = tpu.memref_squeeze %dma_wait3A_166 : memref<1x125xi32, #tpu.memory_space<vmem>> -> memref<125xi32, #tpu.memory_space<vmem>>
      %dma_wait3A_168 = arith.constant 0 : i32
      %dma_wait3A_169 = arith.constant 0 : i32
      %dma_wait3A_170 = tpu.memref_slice %arg2[%dma_wait3A_168, %dma_wait3A_169] : memref<10240x128xf32, #tpu.memory_space<hbm>> -> memref<10240x128xf32, #tpu.memory_space<hbm>>
      tpu.wait_indirect_dma semaphore(%arg18 : memref<!tpu.dma_semaphore, #tpu.memory_space<semaphore_mem>>) src(%dma_wait3A_170 : memref<10240x128xf32, #tpu.memory_space<hbm>>) dst(%arg11 : memref<125x128xf32, #tpu.memory_space<vmem>>)
      %run_scoped3A_171 = arith.constant 1 : i32
      "tpu.region"() ({
        %run_scoped3A_186 = tpu.sem_alloc : memref<!tpu.dma_semaphore, #tpu.memory_space<semaphore_mem>>
        %dma_start3A_187 = arith.constant 0 : i32
        %dma_start3A_188 = tpu.memref_slice %arg9[%run_scoped3A_171, %dma_start3A_187] : memref<2x125xi32, #tpu.memory_space<vmem>> -> memref<1x125xi32, #tpu.memory_space<vmem>>
        %dma_start3A_189 = tpu.memref_squeeze %dma_start3A_188 : memref<1x125xi32, #tpu.memory_space<vmem>> -> memref<125xi32, #tpu.memory_space<vmem>>
        %dma_start3A_190 = arith.constant 0 : i32
        %dma_start3A_191 = arith.constant 0 : i32
        %dma_start3A_192 = tpu.memref_slice %arg12[%dma_start3A_190, %dma_start3A_191] : memref<10240x128xf32, #tpu.memory_space<vmem_shared>> -> memref<10240x128xf32, #tpu.memory_space<vmem_shared>>
        tpu.enqueue_indirect_dma source(%arg11 : memref<125x128xf32, #tpu.memory_space<vmem>>) target(%dma_start3A_192 : memref<10240x128xf32, #tpu.memory_space<vmem_shared>>) offsets(%dma_start3A_189 : memref<125xi32, #tpu.memory_space<vmem>>) semaphore(%run_scoped3A_186 : memref<!tpu.dma_semaphore, #tpu.memory_space<semaphore_mem>>) {add = true}
        %dma_wait3A_193 = arith.constant 0 : i32
        %dma_wait3A_194 = tpu.memref_slice %arg9[%run_scoped3A_171, %dma_wait3A_193] : memref<2x125xi32, #tpu.memory_space<vmem>> -> memref<1x125xi32, #tpu.memory_space<vmem>>
        %dma_wait3A_195 = tpu.memref_squeeze %dma_wait3A_194 : memref<1x125xi32, #tpu.memory_space<vmem>> -> memref<125xi32, #tpu.memory_space<vmem>>
        %dma_wait3A_196 = arith.constant 0 : i32
        %dma_wait3A_197 = arith.constant 0 : i32
        %dma_wait3A_198 = tpu.memref_slice %arg12[%dma_wait3A_196, %dma_wait3A_197] : memref<10240x128xf32, #tpu.memory_space<vmem_shared>> -> memref<10240x128xf32, #tpu.memory_space<vmem_shared>>
        tpu.wait_indirect_dma semaphore(%run_scoped3A_186 : memref<!tpu.dma_semaphore, #tpu.memory_space<semaphore_mem>>) src(%arg11 : memref<125x128xf32, #tpu.memory_space<vmem>>) dst(%dma_wait3A_198 : memref<10240x128xf32, #tpu.memory_space<vmem_shared>>)
        tpu.yield
      }) : () -> ()
      %add3A_172 = arith.constant 4 : i32
      %add3A_173 = arith.addi %add3A_163, %add3A_172 : i32
      %lt3A_174 = arith.constant 80 : i32
      %lt3A_175 = arith.cmpi slt, %add3A_173, %lt3A_174 : i32
      %convert_element_type3A_176 = arith.extui %lt3A_175 : i1 to i32
      %cond3A_177 = arith.constant 0 : i32
      %cond3A_178 = arith.cmpi ne, %convert_element_type3A_176, %cond3A_177 : i32
      scf.if %cond3A_178 {
        %add3A_186 = arith.constant 4 : i32
        %add3A_187 = arith.addi %add3A_163, %add3A_186 : i32
        %dma_start3A_188 = arith.constant 0 : i32
        %dma_start3A_189 = arith.constant 0 : i32
        %dma_start3A_190 = tpu.memref_slice %arg3[%add3A, %add3A_187, %dma_start3A_188, %dma_start3A_189] : memref<32x80x2x125xi32, #tpu.memory_space<hbm>> -> memref<1x1x2x125xi32, #tpu.memory_space<hbm>>
        %dma_start3A_191 = tpu.memref_squeeze %dma_start3A_190 : memref<1x1x2x125xi32, #tpu.memory_space<hbm>> -> memref<2x125xi32, #tpu.memory_space<hbm>>
        %dma_start3A_192 = arith.constant 0 : i32
        %dma_start3A_193 = arith.constant 0 : i32
        %dma_start3A_194 = tpu.memref_slice %arg3[%add3A, %add3A_187, %dma_start3A_192, %dma_start3A_193] : memref<32x80x2x125xi32, #tpu.memory_space<hbm>> -> memref<1x1x2x125xi32, #tpu.memory_space<hbm>>
        %dma_start3A_195 = tpu.memref_squeeze %dma_start3A_194 : memref<1x1x2x125xi32, #tpu.memory_space<hbm>> -> memref<2x125xi32, #tpu.memory_space<hbm>>
        tpu.enqueue_dma source(%dma_start3A_195 : memref<2x125xi32, #tpu.memory_space<hbm>>) target(%arg9 : memref<2x125xi32, #tpu.memory_space<vmem>>) target_semaphore(%arg16 : memref<!tpu.dma_semaphore, #tpu.memory_space<semaphore_mem>>)
      } else {
      }
      %add3A_179 = arith.constant 2 : i32
      %add3A_180 = arith.addi %add3A_163, %add3A_179 : i32
      %lt3A_181 = arith.constant 80 : i32
      %lt3A_182 = arith.cmpi slt, %add3A_180, %lt3A_181 : i32
      %convert_element_type3A_183 = arith.extui %lt3A_182 : i1 to i32
      %cond3A_184 = arith.constant 0 : i32
      %cond3A_185 = arith.cmpi ne, %convert_element_type3A_183, %cond3A_184 : i32
      scf.if %cond3A_185 {
        %add3A_186 = arith.constant 2 : i32
        %add3A_187 = arith.addi %add3A_163, %add3A_186 : i32
        %dma_wait3A_188 = arith.constant 0 : i32
        %dma_wait3A_189 = arith.constant 0 : i32
        %dma_wait3A_190 = tpu.memref_slice %arg3[%add3A, %add3A_187, %dma_wait3A_188, %dma_wait3A_189] : memref<32x80x2x125xi32, #tpu.memory_space<hbm>> -> memref<1x1x2x125xi32, #tpu.memory_space<hbm>>
        %dma_wait3A_191 = tpu.memref_squeeze %dma_wait3A_190 : memref<1x1x2x125xi32, #tpu.memory_space<hbm>> -> memref<2x125xi32, #tpu.memory_space<hbm>>
        %dma_wait3A_192 = arith.constant 0 : i32
        %dma_wait3A_193 = arith.constant 0 : i32
        %dma_wait3A_194 = tpu.memref_slice %arg3[%add3A, %add3A_187, %dma_wait3A_192, %dma_wait3A_193] : memref<32x80x2x125xi32, #tpu.memory_space<hbm>> -> memref<1x1x2x125xi32, #tpu.memory_space<hbm>>
        %dma_wait3A_195 = tpu.memref_squeeze %dma_wait3A_194 : memref<1x1x2x125xi32, #tpu.memory_space<hbm>> -> memref<2x125xi32, #tpu.memory_space<hbm>>
        tpu.wait_dma2 semaphore(%arg14 : memref<!tpu.dma_semaphore, #tpu.memory_space<semaphore_mem>>) src(%dma_wait3A_195 : memref<2x125xi32, #tpu.memory_space<hbm>>) dst(%arg7 : memref<2x125xi32, #tpu.memory_space<vmem>>)
        %dma_start3A_196 = arith.constant 0 : i32
        %dma_start3A_197 = arith.constant 0 : i32
        %dma_start3A_198 = tpu.memref_slice %arg7[%dma_start3A_196, %dma_start3A_197] : memref<2x125xi32, #tpu.memory_space<vmem>> -> memref<1x125xi32, #tpu.memory_space<vmem>>
        %dma_start3A_199 = tpu.memref_squeeze %dma_start3A_198 : memref<1x125xi32, #tpu.memory_space<vmem>> -> memref<125xi32, #tpu.memory_space<vmem>>
        %dma_start3A_200 = arith.constant 0 : i32
        %dma_start3A_201 = arith.constant 0 : i32
        %dma_start3A_202 = tpu.memref_slice %arg2[%dma_start3A_200, %dma_start3A_201] : memref<10240x128xf32, #tpu.memory_space<hbm>> -> memref<10240x128xf32, #tpu.memory_space<hbm>>
        tpu.enqueue_indirect_dma source(%dma_start3A_202 : memref<10240x128xf32, #tpu.memory_space<hbm>>) target(%arg11 : memref<125x128xf32, #tpu.memory_space<vmem>>) offsets(%dma_start3A_199 : memref<125xi32, #tpu.memory_space<vmem>>) semaphore(%arg18 : memref<!tpu.dma_semaphore, #tpu.memory_space<semaphore_mem>>)
      } else {
      }
    }
    %scan3A_77 = arith.constant 20 : i32
    %barrier3A_78 = arith.constant 0 : index
    tpu.barrier barrier_id(%barrier3A_78)
    %mul3A_79 = arith.constant 640 : i32
    %mul3A_80 = arith.muli %arg1, %mul3A_79 : i32
    %mul3A_81 = arith.constant 640 : i32
    %mul3A_82 = arith.muli %arg1, %mul3A_81 : i32
    "tpu.region"() ({
      %run_scoped3A = tpu.sem_alloc : memref<!tpu.dma_semaphore, #tpu.memory_space<semaphore_mem>>
      %dma_start3A_83 = arith.constant 0 : i32
      %dma_start3A_84 = tpu.memref_slice %arg5[%arg0, %mul3A_82, %dma_start3A_83] : memref<2x10240x128xf32, #tpu.memory_space<hbm>> -> memref<1x640x128xf32, #tpu.memory_space<hbm>>
      %dma_start3A_85 = tpu.memref_squeeze %dma_start3A_84 : memref<1x640x128xf32, #tpu.memory_space<hbm>> -> memref<640x128xf32, #tpu.memory_space<hbm>>
      %dma_start3A_86 = arith.constant 0 : i32
      %dma_start3A_87 = tpu.memref_slice %arg12[%mul3A_80, %dma_start3A_86] : memref<10240x128xf32, #tpu.memory_space<vmem_shared>> -> memref<640x128xf32, #tpu.memory_space<vmem_shared>>
      tpu.enqueue_dma source(%dma_start3A_87 : memref<640x128xf32, #tpu.memory_space<vmem_shared>>) target(%dma_start3A_85 : memref<640x128xf32, #tpu.memory_space<hbm>>) target_semaphore(%run_scoped3A : memref<!tpu.dma_semaphore, #tpu.memory_space<semaphore_mem>>)
      %dma_wait3A_88 = arith.constant 0 : i32
      %dma_wait3A_89 = tpu.memref_slice %arg5[%arg0, %mul3A_82, %dma_wait3A_88] : memref<2x10240x128xf32, #tpu.memory_space<hbm>> -> memref<1x640x128xf32, #tpu.memory_space<hbm>>
      %dma_wait3A_90 = tpu.memref_squeeze %dma_wait3A_89 : memref<1x640x128xf32, #tpu.memory_space<hbm>> -> memref<640x128xf32, #tpu.memory_space<hbm>>
      %dma_wait3A_91 = arith.constant 0 : i32
      %dma_wait3A_92 = tpu.memref_slice %arg12[%mul3A_80, %dma_wait3A_91] : memref<10240x128xf32, #tpu.memory_space<vmem_shared>> -> memref<640x128xf32, #tpu.memory_space<vmem_shared>>
      tpu.wait_dma2 semaphore(%run_scoped3A : memref<!tpu.dma_semaphore, #tpu.memory_space<semaphore_mem>>) src(%dma_wait3A_92 : memref<640x128xf32, #tpu.memory_space<vmem_shared>>) dst(%dma_wait3A_90 : memref<640x128xf32, #tpu.memory_space<hbm>>)
      tpu.yield
    }) : () -> ()
    return
  }
}

#map = affine_map<(d0, d1) -> (0, 0)>
#map1 = affine_map<(d0, d1) -> (0, 0, 0, 0)>
#map2 = affine_map<(d0, d1) -> (0, 0, 0)>
module attributes {stable_mosaic.version = 14 : i64} {
  func.func @_scatter_kernel(%arg0: i32, %arg1: i32, %arg2: memref<10240x128xf32, #tpu.memory_space<hbm>>, %arg3: memref<32x80x2x125xi32, #tpu.memory_space<hbm>>, %arg4: memref<640x128xf32, #tpu.memory_space<hbm>>, %arg5: memref<2x10240x128xf32, #tpu.memory_space<hbm>>, %arg6: memref<2x125xi32, #tpu.memory_space<vmem>>, %arg7: memref<2x125xi32, #tpu.memory_space<vmem>>, %arg8: memref<2x125xi32, #tpu.memory_space<vmem>>, %arg9: memref<2x125xi32, #tpu.memory_space<vmem>>, %arg10: memref<125x128xf32, #tpu.memory_space<vmem>>, %arg11: memref<125x128xf32, #tpu.memory_space<vmem>>, %arg12: memref<10240x128xf32, #tpu.memory_space<vmem_shared>>, %arg13: memref<!tpu.dma_semaphore, #tpu.memory_space<semaphore_mem>>, %arg14: memref<!tpu.dma_semaphore, #tpu.memory_space<semaphore_mem>>, %arg15: memref<!tpu.dma_semaphore, #tpu.memory_space<semaphore_mem>>, %arg16: memref<!tpu.dma_semaphore, #tpu.memory_space<semaphore_mem>>, %arg17: memref<!tpu.dma_semaphore, #tpu.memory_space<semaphore_mem>>, %arg18: memref<!tpu.dma_semaphore, #tpu.memory_space<semaphore_mem>>) attributes {dimension_semantics = [#tpu.dimension_semantics<core_parallel>, #tpu.dimension_semantics<subcore_parallel>], iteration_bounds = array<i64: 2, 16>, scalar_prefetch = 0 : i64, scratch_operands = 13 : i64, tpu.core_type = #tpu.core_type<sc_vector_subcore>, window_params = [{transform_indices = #map}, {transform_indices = #map1}, {transform_indices = #map}, {transform_indices = #map2}]} {
    %mul3A = arith.constant 16 : i32
    %mul3A_0 = arith.muli %arg0, %mul3A : i32
    %add3A = arith.addi %mul3A_0, %arg1 : i32
    %dma_start3A = arith.constant 0 : i32
    %dma_start3A_1 = arith.constant 0 : i32
    %dma_start3A_2 = arith.constant 0 : i32
    %dma_start3A_3 = tpu.memref_slice %arg3[%add3A, %dma_start3A, %dma_start3A_1, %dma_start3A_2] : memref<32x80x2x125xi32, #tpu.memory_space<hbm>> -> memref<1x1x2x125xi32, #tpu.memory_space<hbm>>
    %dma_start3A_4 = tpu.memref_squeeze %dma_start3A_3 : memref<1x1x2x125xi32, #tpu.memory_space<hbm>> -> memref<2x125xi32, #tpu.memory_space<hbm>>
    %dma_start3A_5 = arith.constant 0 : i32
    %dma_start3A_6 = arith.constant 0 : i32
    %dma_start3A_7 = tpu.memref_slice %arg3[%add3A, %dma_start3A, %dma_start3A_5, %dma_start3A_6] : memref<32x80x2x125xi32, #tpu.memory_space<hbm>> -> memref<1x1x2x125xi32, #tpu.memory_space<hbm>>
    %dma_start3A_8 = tpu.memref_squeeze %dma_start3A_7 : memref<1x1x2x125xi32, #tpu.memory_space<hbm>> -> memref<2x125xi32, #tpu.memory_space<hbm>>
    tpu.enqueue_dma source(%dma_start3A_8 : memref<2x125xi32, #tpu.memory_space<hbm>>) target(%arg6 : memref<2x125xi32, #tpu.memory_space<vmem>>) target_semaphore(%arg13 : memref<!tpu.dma_semaphore, #tpu.memory_space<semaphore_mem>>)
    %dma_start3A_9 = arith.constant 1 : i32
    %dma_start3A_10 = arith.constant 0 : i32
    %dma_start3A_11 = arith.constant 0 : i32
    %dma_start3A_12 = tpu.memref_slice %arg3[%add3A, %dma_start3A_9, %dma_start3A_10, %dma_start3A_11] : memref<32x80x2x125xi32, #tpu.memory_space<hbm>> -> memref<1x1x2x125xi32, #tpu.memory_space<hbm>>
    %dma_start3A_13 = tpu.memref_squeeze %dma_start3A_12 : memref<1x1x2x125xi32, #tpu.memory_space<hbm>> -> memref<2x125xi32, #tpu.memory_space<hbm>>
    %dma_start3A_14 = arith.constant 0 : i32
    %dma_start3A_15 = arith.constant 0 : i32
    %dma_start3A_16 = tpu.memref_slice %arg3[%add3A, %dma_start3A_9, %dma_start3A_14, %dma_start3A_15] : memref<32x80x2x125xi32, #tpu.memory_space<hbm>> -> memref<1x1x2x125xi32, #tpu.memory_space<hbm>>
    %dma_start3A_17 = tpu.memref_squeeze %dma_start3A_16 : memref<1x1x2x125xi32, #tpu.memory_space<hbm>> -> memref<2x125xi32, #tpu.memory_space<hbm>>
    tpu.enqueue_dma source(%dma_start3A_17 : memref<2x125xi32, #tpu.memory_space<hbm>>) target(%arg7 : memref<2x125xi32, #tpu.memory_space<vmem>>) target_semaphore(%arg14 : memref<!tpu.dma_semaphore, #tpu.memory_space<semaphore_mem>>)
    %dma_start3A_18 = arith.constant 2 : i32
    %dma_start3A_19 = arith.constant 0 : i32
    %dma_start3A_20 = arith.constant 0 : i32
    %dma_start3A_21 = tpu.memref_slice %arg3[%add3A, %dma_start3A_18, %dma_start3A_19, %dma_start3A_20] : memref<32x80x2x125xi32, #tpu.memory_space<hbm>> -> memref<1x1x2x125xi32, #tpu.memory_space<hbm>>
    %dma_start3A_22 = tpu.memref_squeeze %dma_start3A_21 : memref<1x1x2x125xi32, #tpu.memory_space<hbm>> -> memref<2x125xi32, #tpu.memory_space<hbm>>
    %dma_start3A_23 = arith.constant 0 : i32
    %dma_start3A_24 = arith.constant 0 : i32
    %dma_start3A_25 = tpu.memref_slice %arg3[%add3A, %dma_start3A_18, %dma_start3A_23, %dma_start3A_24] : memref<32x80x2x125xi32, #tpu.memory_space<hbm>> -> memref<1x1x2x125xi32, #tpu.memory_space<hbm>>
    %dma_start3A_26 = tpu.memref_squeeze %dma_start3A_25 : memref<1x1x2x125xi32, #tpu.memory_space<hbm>> -> memref<2x125xi32, #tpu.memory_space<hbm>>
    tpu.enqueue_dma source(%dma_start3A_26 : memref<2x125xi32, #tpu.memory_space<hbm>>) target(%arg8 : memref<2x125xi32, #tpu.memory_space<vmem>>) target_semaphore(%arg15 : memref<!tpu.dma_semaphore, #tpu.memory_space<semaphore_mem>>)
    %dma_start3A_27 = arith.constant 3 : i32
    %dma_start3A_28 = arith.constant 0 : i32
    %dma_start3A_29 = arith.constant 0 : i32
    %dma_start3A_30 = tpu.memref_slice %arg3[%add3A, %dma_start3A_27, %dma_start3A_28, %dma_start3A_29] : memref<32x80x2x125xi32, #tpu.memory_space<hbm>> -> memref<1x1x2x125xi32, #tpu.memory_space<hbm>>
    %dma_start3A_31 = tpu.memref_squeeze %dma_start3A_30 : memref<1x1x2x125xi32, #tpu.memory_space<hbm>> -> memref<2x125xi32, #tpu.memory_space<hbm>>
    %dma_start3A_32 = arith.constant 0 : i32
    %dma_start3A_33 = arith.constant 0 : i32
    %dma_start3A_34 = tpu.memref_slice %arg3[%add3A, %dma_start3A_27, %dma_start3A_32, %dma_start3A_33] : memref<32x80x2x125xi32, #tpu.memory_space<hbm>> -> memref<1x1x2x125xi32, #tpu.memory_space<hbm>>
    %dma_start3A_35 = tpu.memref_squeeze %dma_start3A_34 : memref<1x1x2x125xi32, #tpu.memory_space<hbm>> -> memref<2x125xi32, #tpu.memory_space<hbm>>
    tpu.enqueue_dma source(%dma_start3A_35 : memref<2x125xi32, #tpu.memory_space<hbm>>) target(%arg9 : memref<2x125xi32, #tpu.memory_space<vmem>>) target_semaphore(%arg16 : memref<!tpu.dma_semaphore, #tpu.memory_space<semaphore_mem>>)
    %eq3A = arith.constant 0 : i32
    %eq3A_36 = arith.cmpi eq, %arg0, %eq3A : i32
    %convert_element_type3A = arith.extui %eq3A_36 : i1 to i32
    %cond3A = arith.constant 0 : i32
    %cond3A_37 = arith.cmpi ne, %convert_element_type3A, %cond3A : i32
    scf.if %cond3A_37 {
      %mul3A_83 = arith.constant 640 : i32
      %mul3A_84 = arith.muli %arg1, %mul3A_83 : i32
      %mul3A_85 = arith.constant 640 : i32
      %mul3A_86 = arith.muli %arg1, %mul3A_85 : i32
      "tpu.region"() ({
        %run_scoped3A = tpu.sem_alloc : memref<!tpu.dma_semaphore, #tpu.memory_space<semaphore_mem>>
        %dma_start3A_87 = arith.constant 0 : i32
        %dma_start3A_88 = tpu.memref_slice %arg12[%mul3A_86, %dma_start3A_87] : memref<10240x128xf32, #tpu.memory_space<vmem_shared>> -> memref<640x128xf32, #tpu.memory_space<vmem_shared>>
        %dma_start3A_89 = arith.constant 0 : i32
        %dma_start3A_90 = tpu.memref_slice %arg2[%mul3A_84, %dma_start3A_89] : memref<10240x128xf32, #tpu.memory_space<hbm>> -> memref<640x128xf32, #tpu.memory_space<hbm>>
        tpu.enqueue_dma source(%dma_start3A_90 : memref<640x128xf32, #tpu.memory_space<hbm>>) target(%dma_start3A_88 : memref<640x128xf32, #tpu.memory_space<vmem_shared>>) target_semaphore(%run_scoped3A : memref<!tpu.dma_semaphore, #tpu.memory_space<semaphore_mem>>)
        %dma_wait3A_91 = arith.constant 0 : i32
        %dma_wait3A_92 = tpu.memref_slice %arg12[%mul3A_86, %dma_wait3A_91] : memref<10240x128xf32, #tpu.memory_space<vmem_shared>> -> memref<640x128xf32, #tpu.memory_space<vmem_shared>>
        %dma_wait3A_93 = arith.constant 0 : i32
        %dma_wait3A_94 = tpu.memref_slice %arg2[%mul3A_84, %dma_wait3A_93] : memref<10240x128xf32, #tpu.memory_space<hbm>> -> memref<640x128xf32, #tpu.memory_space<hbm>>
        tpu.wait_dma2 semaphore(%run_scoped3A : memref<!tpu.dma_semaphore, #tpu.memory_space<semaphore_mem>>) src(%dma_wait3A_94 : memref<640x128xf32, #tpu.memory_space<hbm>>) dst(%dma_wait3A_92 : memref<640x128xf32, #tpu.memory_space<vmem_shared>>)
        tpu.yield
      }) : () -> ()
    } else {
    }
    %ne3A = arith.constant 0 : i32
    %ne3A_38 = arith.cmpi ne, %arg0, %ne3A : i32
    %convert_element_type3A_39 = arith.extui %ne3A_38 : i1 to i32
    %cond3A_40 = arith.constant 0 : i32
    %cond3A_41 = arith.cmpi ne, %convert_element_type3A_39, %cond3A_40 : i32
    scf.if %cond3A_41 {
      %mul3A_83 = arith.constant 640 : i32
      %mul3A_84 = arith.muli %arg1, %mul3A_83 : i32
      "tpu.region"() ({
        %run_scoped3A = tpu.sem_alloc : memref<!tpu.dma_semaphore, #tpu.memory_space<semaphore_mem>>
        %dma_start3A_85 = arith.constant 0 : i32
        %dma_start3A_86 = tpu.memref_slice %arg12[%mul3A_84, %dma_start3A_85] : memref<10240x128xf32, #tpu.memory_space<vmem_shared>> -> memref<640x128xf32, #tpu.memory_space<vmem_shared>>
        tpu.enqueue_dma source(%arg4 : memref<640x128xf32, #tpu.memory_space<hbm>>) target(%dma_start3A_86 : memref<640x128xf32, #tpu.memory_space<vmem_shared>>) target_semaphore(%run_scoped3A : memref<!tpu.dma_semaphore, #tpu.memory_space<semaphore_mem>>)
        %dma_wait3A_87 = arith.constant 0 : i32
        %dma_wait3A_88 = tpu.memref_slice %arg12[%mul3A_84, %dma_wait3A_87] : memref<10240x128xf32, #tpu.memory_space<vmem_shared>> -> memref<640x128xf32, #tpu.memory_space<vmem_shared>>
        tpu.wait_dma2 semaphore(%run_scoped3A : memref<!tpu.dma_semaphore, #tpu.memory_space<semaphore_mem>>) src(%arg4 : memref<640x128xf32, #tpu.memory_space<hbm>>) dst(%dma_wait3A_88 : memref<640x128xf32, #tpu.memory_space<vmem_shared>>)
        tpu.yield
      }) : () -> ()
    } else {
    }
    %dma_wait3A = arith.constant 0 : i32
    %dma_wait3A_42 = arith.constant 0 : i32
    %dma_wait3A_43 = arith.constant 0 : i32
    %dma_wait3A_44 = tpu.memref_slice %arg3[%add3A, %dma_wait3A, %dma_wait3A_42, %dma_wait3A_43] : memref<32x80x2x125xi32, #tpu.memory_space<hbm>> -> memref<1x1x2x125xi32, #tpu.memory_space<hbm>>
    %dma_wait3A_45 = tpu.memref_squeeze %dma_wait3A_44 : memref<1x1x2x125xi32, #tpu.memory_space<hbm>> -> memref<2x125xi32, #tpu.memory_space<hbm>>
    %dma_wait3A_46 = arith.constant 0 : i32
    %dma_wait3A_47 = arith.constant 0 : i32
    %dma_wait3A_48 = tpu.memref_slice %arg3[%add3A, %dma_wait3A, %dma_wait3A_46, %dma_wait3A_47] : memref<32x80x2x125xi32, #tpu.memory_space<hbm>> -> memref<1x1x2x125xi32, #tpu.memory_space<hbm>>
    %dma_wait3A_49 = tpu.memref_squeeze %dma_wait3A_48 : memref<1x1x2x125xi32, #tpu.memory_space<hbm>> -> memref<2x125xi32, #tpu.memory_space<hbm>>
    tpu.wait_dma2 semaphore(%arg13 : memref<!tpu.dma_semaphore, #tpu.memory_space<semaphore_mem>>) src(%dma_wait3A_49 : memref<2x125xi32, #tpu.memory_space<hbm>>) dst(%arg6 : memref<2x125xi32, #tpu.memory_space<vmem>>)
    %dma_start3A_50 = arith.constant 0 : i32
    %dma_start3A_51 = arith.constant 0 : i32
    %dma_start3A_52 = tpu.memref_slice %arg6[%dma_start3A_50, %dma_start3A_51] : memref<2x125xi32, #tpu.memory_space<vmem>> -> memref<1x125xi32, #tpu.memory_space<vmem>>
    %dma_start3A_53 = tpu.memref_squeeze %dma_start3A_52 : memref<1x125xi32, #tpu.memory_space<vmem>> -> memref<125xi32, #tpu.memory_space<vmem>>
    %dma_start3A_54 = arith.constant 0 : i32
    %dma_start3A_55 = arith.constant 0 : i32
    %dma_start3A_56 = tpu.memref_slice %arg2[%dma_start3A_54, %dma_start3A_55] : memref<10240x128xf32, #tpu.memory_space<hbm>> -> memref<10240x128xf32, #tpu.memory_space<hbm>>
    tpu.enqueue_indirect_dma source(%dma_start3A_56 : memref<10240x128xf32, #tpu.memory_space<hbm>>) target(%arg10 : memref<125x128xf32, #tpu.memory_space<vmem>>) offsets(%dma_start3A_53 : memref<125xi32, #tpu.memory_space<vmem>>) semaphore(%arg17 : memref<!tpu.dma_semaphore, #tpu.memory_space<semaphore_mem>>)
    %dma_wait3A_57 = arith.constant 1 : i32
    %dma_wait3A_58 = arith.constant 0 : i32
    %dma_wait3A_59 = arith.constant 0 : i32
    %dma_wait3A_60 = tpu.memref_slice %arg3[%add3A, %dma_wait3A_57, %dma_wait3A_58, %dma_wait3A_59] : memref<32x80x2x125xi32, #tpu.memory_space<hbm>> -> memref<1x1x2x125xi32, #tpu.memory_space<hbm>>
    %dma_wait3A_61 = tpu.memref_squeeze %dma_wait3A_60 : memref<1x1x2x125xi32, #tpu.memory_space<hbm>> -> memref<2x125xi32, #tpu.memory_space<hbm>>
    %dma_wait3A_62 = arith.constant 0 : i32
    %dma_wait3A_63 = arith.constant 0 : i32
    %dma_wait3A_64 = tpu.memref_slice %arg3[%add3A, %dma_wait3A_57, %dma_wait3A_62, %dma_wait3A_63] : memref<32x80x2x125xi32, #tpu.memory_space<hbm>> -> memref<1x1x2x125xi32, #tpu.memory_space<hbm>>
    %dma_wait3A_65 = tpu.memref_squeeze %dma_wait3A_64 : memref<1x1x2x125xi32, #tpu.memory_space<hbm>> -> memref<2x125xi32, #tpu.memory_space<hbm>>
    tpu.wait_dma2 semaphore(%arg14 : memref<!tpu.dma_semaphore, #tpu.memory_space<semaphore_mem>>) src(%dma_wait3A_65 : memref<2x125xi32, #tpu.memory_space<hbm>>) dst(%arg7 : memref<2x125xi32, #tpu.memory_space<vmem>>)
    %dma_start3A_66 = arith.constant 0 : i32
    %dma_start3A_67 = arith.constant 0 : i32
    %dma_start3A_68 = tpu.memref_slice %arg7[%dma_start3A_66, %dma_start3A_67] : memref<2x125xi32, #tpu.memory_space<vmem>> -> memref<1x125xi32, #tpu.memory_space<vmem>>
    %dma_start3A_69 = tpu.memref_squeeze %dma_start3A_68 : memref<1x125xi32, #tpu.memory_space<vmem>> -> memref<125xi32, #tpu.memory_space<vmem>>
    %dma_start3A_70 = arith.constant 0 : i32
    %dma_start3A_71 = arith.constant 0 : i32
    %dma_start3A_72 = tpu.memref_slice %arg2[%dma_start3A_70, %dma_start3A_71] : memref<10240x128xf32, #tpu.memory_space<hbm>> -> memref<10240x128xf32, #tpu.memory_space<hbm>>
    tpu.enqueue_indirect_dma source(%dma_start3A_72 : memref<10240x128xf32, #tpu.memory_space<hbm>>) target(%arg11 : memref<125x128xf32, #tpu.memory_space<vmem>>) offsets(%dma_start3A_69 : memref<125xi32, #tpu.memory_space<vmem>>) semaphore(%arg18 : memref<!tpu.dma_semaphore, #tpu.memory_space<semaphore_mem>>)
    %barrier3A = arith.constant 0 : index
    tpu.barrier barrier_id(%barrier3A)
    %scan3A = arith.constant 0 : i32
    %scan3A_73 = arith.constant 0 : i32
    %scan3A_74 = arith.constant 20 : i32
    %scan3A_75 = arith.addi %scan3A_73, %scan3A_74 : i32
    %scan3A_76 = arith.constant 1 : i32
    scf.for %scan3A_83 = %scan3A_73 to %scan3A_75 step %scan3A_76  : i32 {
      %mul3A_84 = arith.constant 4 : i32
      %mul3A_85 = arith.muli %mul3A_84, %scan3A_83 : i32
      %add3A_86 = arith.constant 0 : i32
      %add3A_87 = arith.addi %mul3A_85, %add3A_86 : i32
      %dma_wait3A_88 = arith.constant 0 : i32
      %dma_wait3A_89 = arith.constant 0 : i32
      %dma_wait3A_90 = tpu.memref_slice %arg6[%dma_wait3A_88, %dma_wait3A_89] : memref<2x125xi32, #tpu.memory_space<vmem>> -> memref<1x125xi32, #tpu.memory_space<vmem>>
      %dma_wait3A_91 = tpu.memref_squeeze %dma_wait3A_90 : memref<1x125xi32, #tpu.memory_space<vmem>> -> memref<125xi32, #tpu.memory_space<vmem>>
      %dma_wait3A_92 = arith.constant 0 : i32
      %dma_wait3A_93 = arith.constant 0 : i32
      %dma_wait3A_94 = tpu.memref_slice %arg2[%dma_wait3A_92, %dma_wait3A_93] : memref<10240x128xf32, #tpu.memory_space<hbm>> -> memref<10240x128xf32, #tpu.memory_space<hbm>>
      tpu.wait_indirect_dma semaphore(%arg17 : memref<!tpu.dma_semaphore, #tpu.memory_space<semaphore_mem>>) src(%dma_wait3A_94 : memref<10240x128xf32, #tpu.memory_space<hbm>>) dst(%arg10 : memref<125x128xf32, #tpu.memory_space<vmem>>)
      %run_scoped3A = arith.constant 1 : i32
      "tpu.region"() ({
        %run_scoped3A_186 = tpu.sem_alloc : memref<!tpu.dma_semaphore, #tpu.memory_space<semaphore_mem>>
        %dma_start3A_187 = arith.constant 0 : i32
        %dma_start3A_188 = tpu.memref_slice %arg6[%run_scoped3A, %dma_start3A_187] : memref<2x125xi32, #tpu.memory_space<vmem>> -> memref<1x125xi32, #tpu.memory_space<vmem>>
        %dma_start3A_189 = tpu.memref_squeeze %dma_start3A_188 : memref<1x125xi32, #tpu.memory_space<vmem>> -> memref<125xi32, #tpu.memory_space<vmem>>
        %dma_start3A_190 = arith.constant 0 : i32
        %dma_start3A_191 = arith.constant 0 : i32
        %dma_start3A_192 = tpu.memref_slice %arg12[%dma_start3A_190, %dma_start3A_191] : memref<10240x128xf32, #tpu.memory_space<vmem_shared>> -> memref<10240x128xf32, #tpu.memory_space<vmem_shared>>
        tpu.enqueue_indirect_dma source(%arg10 : memref<125x128xf32, #tpu.memory_space<vmem>>) target(%dma_start3A_192 : memref<10240x128xf32, #tpu.memory_space<vmem_shared>>) offsets(%dma_start3A_189 : memref<125xi32, #tpu.memory_space<vmem>>) semaphore(%run_scoped3A_186 : memref<!tpu.dma_semaphore, #tpu.memory_space<semaphore_mem>>) {add = true}
        %dma_wait3A_193 = arith.constant 0 : i32
        %dma_wait3A_194 = tpu.memref_slice %arg6[%run_scoped3A, %dma_wait3A_193] : memref<2x125xi32, #tpu.memory_space<vmem>> -> memref<1x125xi32, #tpu.memory_space<vmem>>
        %dma_wait3A_195 = tpu.memref_squeeze %dma_wait3A_194 : memref<1x125xi32, #tpu.memory_space<vmem>> -> memref<125xi32, #tpu.memory_space<vmem>>
        %dma_wait3A_196 = arith.constant 0 : i32
        %dma_wait3A_197 = arith.constant 0 : i32
        %dma_wait3A_198 = tpu.memref_slice %arg12[%dma_wait3A_196, %dma_wait3A_197] : memref<10240x128xf32, #tpu.memory_space<vmem_shared>> -> memref<10240x128xf32, #tpu.memory_space<vmem_shared>>
        tpu.wait_indirect_dma semaphore(%run_scoped3A_186 : memref<!tpu.dma_semaphore, #tpu.memory_space<semaphore_mem>>) src(%arg10 : memref<125x128xf32, #tpu.memory_space<vmem>>) dst(%dma_wait3A_198 : memref<10240x128xf32, #tpu.memory_space<vmem_shared>>)
        tpu.yield
      }) : () -> ()
      %add3A_95 = arith.constant 4 : i32
      %add3A_96 = arith.addi %add3A_87, %add3A_95 : i32
      %lt3A = arith.constant 80 : i32
      %lt3A_97 = arith.cmpi slt, %add3A_96, %lt3A : i32
      %convert_element_type3A_98 = arith.extui %lt3A_97 : i1 to i32
      %cond3A_99 = arith.constant 0 : i32
      %cond3A_100 = arith.cmpi ne, %convert_element_type3A_98, %cond3A_99 : i32
      scf.if %cond3A_100 {
        %add3A_186 = arith.constant 4 : i32
        %add3A_187 = arith.addi %add3A_87, %add3A_186 : i32
        %dma_start3A_188 = arith.constant 0 : i32
        %dma_start3A_189 = arith.constant 0 : i32
        %dma_start3A_190 = tpu.memref_slice %arg3[%add3A, %add3A_187, %dma_start3A_188, %dma_start3A_189] : memref<32x80x2x125xi32, #tpu.memory_space<hbm>> -> memref<1x1x2x125xi32, #tpu.memory_space<hbm>>
        %dma_start3A_191 = tpu.memref_squeeze %dma_start3A_190 : memref<1x1x2x125xi32, #tpu.memory_space<hbm>> -> memref<2x125xi32, #tpu.memory_space<hbm>>
        %dma_start3A_192 = arith.constant 0 : i32
        %dma_start3A_193 = arith.constant 0 : i32
        %dma_start3A_194 = tpu.memref_slice %arg3[%add3A, %add3A_187, %dma_start3A_192, %dma_start3A_193] : memref<32x80x2x125xi32, #tpu.memory_space<hbm>> -> memref<1x1x2x125xi32, #tpu.memory_space<hbm>>
        %dma_start3A_195 = tpu.memref_squeeze %dma_start3A_194 : memref<1x1x2x125xi32, #tpu.memory_space<hbm>> -> memref<2x125xi32, #tpu.memory_space<hbm>>
        tpu.enqueue_dma source(%dma_start3A_195 : memref<2x125xi32, #tpu.memory_space<hbm>>) target(%arg6 : memref<2x125xi32, #tpu.memory_space<vmem>>) target_semaphore(%arg13 : memref<!tpu.dma_semaphore, #tpu.memory_space<semaphore_mem>>)
      } else {
      }
      %add3A_101 = arith.constant 2 : i32
      %add3A_102 = arith.addi %add3A_87, %add3A_101 : i32
      %lt3A_103 = arith.constant 80 : i32
      %lt3A_104 = arith.cmpi slt, %add3A_102, %lt3A_103 : i32
      %convert_element_type3A_105 = arith.extui %lt3A_104 : i1 to i32
      %cond3A_106 = arith.constant 0 : i32
      %cond3A_107 = arith.cmpi ne, %convert_element_type3A_105, %cond3A_106 : i32
      scf.if %cond3A_107 {
        %add3A_186 = arith.constant 2 : i32
        %add3A_187 = arith.addi %add3A_87, %add3A_186 : i32
        %dma_wait3A_188 = arith.constant 0 : i32
        %dma_wait3A_189 = arith.constant 0 : i32
        %dma_wait3A_190 = tpu.memref_slice %arg3[%add3A, %add3A_187, %dma_wait3A_188, %dma_wait3A_189] : memref<32x80x2x125xi32, #tpu.memory_space<hbm>> -> memref<1x1x2x125xi32, #tpu.memory_space<hbm>>
        %dma_wait3A_191 = tpu.memref_squeeze %dma_wait3A_190 : memref<1x1x2x125xi32, #tpu.memory_space<hbm>> -> memref<2x125xi32, #tpu.memory_space<hbm>>
        %dma_wait3A_192 = arith.constant 0 : i32
        %dma_wait3A_193 = arith.constant 0 : i32
        %dma_wait3A_194 = tpu.memref_slice %arg3[%add3A, %add3A_187, %dma_wait3A_192, %dma_wait3A_193] : memref<32x80x2x125xi32, #tpu.memory_space<hbm>> -> memref<1x1x2x125xi32, #tpu.memory_space<hbm>>
        %dma_wait3A_195 = tpu.memref_squeeze %dma_wait3A_194 : memref<1x1x2x125xi32, #tpu.memory_space<hbm>> -> memref<2x125xi32, #tpu.memory_space<hbm>>
        tpu.wait_dma2 semaphore(%arg15 : memref<!tpu.dma_semaphore, #tpu.memory_space<semaphore_mem>>) src(%dma_wait3A_195 : memref<2x125xi32, #tpu.memory_space<hbm>>) dst(%arg8 : memref<2x125xi32, #tpu.memory_space<vmem>>)
        %dma_start3A_196 = arith.constant 0 : i32
        %dma_start3A_197 = arith.constant 0 : i32
        %dma_start3A_198 = tpu.memref_slice %arg8[%dma_start3A_196, %dma_start3A_197] : memref<2x125xi32, #tpu.memory_space<vmem>> -> memref<1x125xi32, #tpu.memory_space<vmem>>
        %dma_start3A_199 = tpu.memref_squeeze %dma_start3A_198 : memref<1x125xi32, #tpu.memory_space<vmem>> -> memref<125xi32, #tpu.memory_space<vmem>>
        %dma_start3A_200 = arith.constant 0 : i32
        %dma_start3A_201 = arith.constant 0 : i32
        %dma_start3A_202 = tpu.memref_slice %arg2[%dma_start3A_200, %dma_start3A_201] : memref<10240x128xf32, #tpu.memory_space<hbm>> -> memref<10240x128xf32, #tpu.memory_space<hbm>>
        tpu.enqueue_indirect_dma source(%dma_start3A_202 : memref<10240x128xf32, #tpu.memory_space<hbm>>) target(%arg10 : memref<125x128xf32, #tpu.memory_space<vmem>>) offsets(%dma_start3A_199 : memref<125xi32, #tpu.memory_space<vmem>>) semaphore(%arg17 : memref<!tpu.dma_semaphore, #tpu.memory_space<semaphore_mem>>)
      } else {
      }
      %mul3A_108 = arith.constant 4 : i32
      %mul3A_109 = arith.muli %mul3A_108, %scan3A_83 : i32
      %add3A_110 = arith.constant 1 : i32
      %add3A_111 = arith.addi %mul3A_109, %add3A_110 : i32
      %dma_wait3A_112 = arith.constant 0 : i32
      %dma_wait3A_113 = arith.constant 0 : i32
      %dma_wait3A_114 = tpu.memref_slice %arg7[%dma_wait3A_112, %dma_wait3A_113] : memref<2x125xi32, #tpu.memory_space<vmem>> -> memref<1x125xi32, #tpu.memory_space<vmem>>
      %dma_wait3A_115 = tpu.memref_squeeze %dma_wait3A_114 : memref<1x125xi32, #tpu.memory_space<vmem>> -> memref<125xi32, #tpu.memory_space<vmem>>
      %dma_wait3A_116 = arith.constant 0 : i32
      %dma_wait3A_117 = arith.constant 0 : i32
      %dma_wait3A_118 = tpu.memref_slice %arg2[%dma_wait3A_116, %dma_wait3A_117] : memref<10240x128xf32, #tpu.memory_space<hbm>> -> memref<10240x128xf32, #tpu.memory_space<hbm>>
      tpu.wait_indirect_dma semaphore(%arg18 : memref<!tpu.dma_semaphore, #tpu.memory_space<semaphore_mem>>) src(%dma_wait3A_118 : memref<10240x128xf32, #tpu.memory_space<hbm>>) dst(%arg11 : memref<125x128xf32, #tpu.memory_space<vmem>>)
      %run_scoped3A_119 = arith.constant 1 : i32
      "tpu.region"() ({
        %run_scoped3A_186 = tpu.sem_alloc : memref<!tpu.dma_semaphore, #tpu.memory_space<semaphore_mem>>
        %dma_start3A_187 = arith.constant 0 : i32
        %dma_start3A_188 = tpu.memref_slice %arg7[%run_scoped3A_119, %dma_start3A_187] : memref<2x125xi32, #tpu.memory_space<vmem>> -> memref<1x125xi32, #tpu.memory_space<vmem>>
        %dma_start3A_189 = tpu.memref_squeeze %dma_start3A_188 : memref<1x125xi32, #tpu.memory_space<vmem>> -> memref<125xi32, #tpu.memory_space<vmem>>
        %dma_start3A_190 = arith.constant 0 : i32
        %dma_start3A_191 = arith.constant 0 : i32
        %dma_start3A_192 = tpu.memref_slice %arg12[%dma_start3A_190, %dma_start3A_191] : memref<10240x128xf32, #tpu.memory_space<vmem_shared>> -> memref<10240x128xf32, #tpu.memory_space<vmem_shared>>
        tpu.enqueue_indirect_dma source(%arg11 : memref<125x128xf32, #tpu.memory_space<vmem>>) target(%dma_start3A_192 : memref<10240x128xf32, #tpu.memory_space<vmem_shared>>) offsets(%dma_start3A_189 : memref<125xi32, #tpu.memory_space<vmem>>) semaphore(%run_scoped3A_186 : memref<!tpu.dma_semaphore, #tpu.memory_space<semaphore_mem>>) {add = true}
        %dma_wait3A_193 = arith.constant 0 : i32
        %dma_wait3A_194 = tpu.memref_slice %arg7[%run_scoped3A_119, %dma_wait3A_193] : memref<2x125xi32, #tpu.memory_space<vmem>> -> memref<1x125xi32, #tpu.memory_space<vmem>>
        %dma_wait3A_195 = tpu.memref_squeeze %dma_wait3A_194 : memref<1x125xi32, #tpu.memory_space<vmem>> -> memref<125xi32, #tpu.memory_space<vmem>>
        %dma_wait3A_196 = arith.constant 0 : i32
        %dma_wait3A_197 = arith.constant 0 : i32
        %dma_wait3A_198 = tpu.memref_slice %arg12[%dma_wait3A_196, %dma_wait3A_197] : memref<10240x128xf32, #tpu.memory_space<vmem_shared>> -> memref<10240x128xf32, #tpu.memory_space<vmem_shared>>
        tpu.wait_indirect_dma semaphore(%run_scoped3A_186 : memref<!tpu.dma_semaphore, #tpu.memory_space<semaphore_mem>>) src(%arg11 : memref<125x128xf32, #tpu.memory_space<vmem>>) dst(%dma_wait3A_198 : memref<10240x128xf32, #tpu.memory_space<vmem_shared>>)
        tpu.yield
      }) : () -> ()
      %add3A_120 = arith.constant 4 : i32
      %add3A_121 = arith.addi %add3A_111, %add3A_120 : i32
      %lt3A_122 = arith.constant 80 : i32
      %lt3A_123 = arith.cmpi slt, %add3A_121, %lt3A_122 : i32
      %convert_element_type3A_124 = arith.extui %lt3A_123 : i1 to i32
      %cond3A_125 = arith.constant 0 : i32
      %cond3A_126 = arith.cmpi ne, %convert_element_type3A_124, %cond3A_125 : i32
      scf.if %cond3A_126 {
        %add3A_186 = arith.constant 4 : i32
        %add3A_187 = arith.addi %add3A_111, %add3A_186 : i32
        %dma_start3A_188 = arith.constant 0 : i32
        %dma_start3A_189 = arith.constant 0 : i32
        %dma_start3A_190 = tpu.memref_slice %arg3[%add3A, %add3A_187, %dma_start3A_188, %dma_start3A_189] : memref<32x80x2x125xi32, #tpu.memory_space<hbm>> -> memref<1x1x2x125xi32, #tpu.memory_space<hbm>>
        %dma_start3A_191 = tpu.memref_squeeze %dma_start3A_190 : memref<1x1x2x125xi32, #tpu.memory_space<hbm>> -> memref<2x125xi32, #tpu.memory_space<hbm>>
        %dma_start3A_192 = arith.constant 0 : i32
        %dma_start3A_193 = arith.constant 0 : i32
        %dma_start3A_194 = tpu.memref_slice %arg3[%add3A, %add3A_187, %dma_start3A_192, %dma_start3A_193] : memref<32x80x2x125xi32, #tpu.memory_space<hbm>> -> memref<1x1x2x125xi32, #tpu.memory_space<hbm>>
        %dma_start3A_195 = tpu.memref_squeeze %dma_start3A_194 : memref<1x1x2x125xi32, #tpu.memory_space<hbm>> -> memref<2x125xi32, #tpu.memory_space<hbm>>
        tpu.enqueue_dma source(%dma_start3A_195 : memref<2x125xi32, #tpu.memory_space<hbm>>) target(%arg7 : memref<2x125xi32, #tpu.memory_space<vmem>>) target_semaphore(%arg14 : memref<!tpu.dma_semaphore, #tpu.memory_space<semaphore_mem>>)
      } else {
      }
      %add3A_127 = arith.constant 2 : i32
      %add3A_128 = arith.addi %add3A_111, %add3A_127 : i32
      %lt3A_129 = arith.constant 80 : i32
      %lt3A_130 = arith.cmpi slt, %add3A_128, %lt3A_129 : i32
      %convert_element_type3A_131 = arith.extui %lt3A_130 : i1 to i32
      %cond3A_132 = arith.constant 0 : i32
      %cond3A_133 = arith.cmpi ne, %convert_element_type3A_131, %cond3A_132 : i32
      scf.if %cond3A_133 {
        %add3A_186 = arith.constant 2 : i32
        %add3A_187 = arith.addi %add3A_111, %add3A_186 : i32
        %dma_wait3A_188 = arith.constant 0 : i32
        %dma_wait3A_189 = arith.constant 0 : i32
        %dma_wait3A_190 = tpu.memref_slice %arg3[%add3A, %add3A_187, %dma_wait3A_188, %dma_wait3A_189] : memref<32x80x2x125xi32, #tpu.memory_space<hbm>> -> memref<1x1x2x125xi32, #tpu.memory_space<hbm>>
        %dma_wait3A_191 = tpu.memref_squeeze %dma_wait3A_190 : memref<1x1x2x125xi32, #tpu.memory_space<hbm>> -> memref<2x125xi32, #tpu.memory_space<hbm>>
        %dma_wait3A_192 = arith.constant 0 : i32
        %dma_wait3A_193 = arith.constant 0 : i32
        %dma_wait3A_194 = tpu.memref_slice %arg3[%add3A, %add3A_187, %dma_wait3A_192, %dma_wait3A_193] : memref<32x80x2x125xi32, #tpu.memory_space<hbm>> -> memref<1x1x2x125xi32, #tpu.memory_space<hbm>>
        %dma_wait3A_195 = tpu.memref_squeeze %dma_wait3A_194 : memref<1x1x2x125xi32, #tpu.memory_space<hbm>> -> memref<2x125xi32, #tpu.memory_space<hbm>>
        tpu.wait_dma2 semaphore(%arg16 : memref<!tpu.dma_semaphore, #tpu.memory_space<semaphore_mem>>) src(%dma_wait3A_195 : memref<2x125xi32, #tpu.memory_space<hbm>>) dst(%arg9 : memref<2x125xi32, #tpu.memory_space<vmem>>)
        %dma_start3A_196 = arith.constant 0 : i32
        %dma_start3A_197 = arith.constant 0 : i32
        %dma_start3A_198 = tpu.memref_slice %arg9[%dma_start3A_196, %dma_start3A_197] : memref<2x125xi32, #tpu.memory_space<vmem>> -> memref<1x125xi32, #tpu.memory_space<vmem>>
        %dma_start3A_199 = tpu.memref_squeeze %dma_start3A_198 : memref<1x125xi32, #tpu.memory_space<vmem>> -> memref<125xi32, #tpu.memory_space<vmem>>
        %dma_start3A_200 = arith.constant 0 : i32
        %dma_start3A_201 = arith.constant 0 : i32
        %dma_start3A_202 = tpu.memref_slice %arg2[%dma_start3A_200, %dma_start3A_201] : memref<10240x128xf32, #tpu.memory_space<hbm>> -> memref<10240x128xf32, #tpu.memory_space<hbm>>
        tpu.enqueue_indirect_dma source(%dma_start3A_202 : memref<10240x128xf32, #tpu.memory_space<hbm>>) target(%arg11 : memref<125x128xf32, #tpu.memory_space<vmem>>) offsets(%dma_start3A_199 : memref<125xi32, #tpu.memory_space<vmem>>) semaphore(%arg18 : memref<!tpu.dma_semaphore, #tpu.memory_space<semaphore_mem>>)
      } else {
      }
      %mul3A_134 = arith.constant 4 : i32
      %mul3A_135 = arith.muli %mul3A_134, %scan3A_83 : i32
      %add3A_136 = arith.constant 2 : i32
      %add3A_137 = arith.addi %mul3A_135, %add3A_136 : i32
      %dma_wait3A_138 = arith.constant 0 : i32
      %dma_wait3A_139 = arith.constant 0 : i32
      %dma_wait3A_140 = tpu.memref_slice %arg8[%dma_wait3A_138, %dma_wait3A_139] : memref<2x125xi32, #tpu.memory_space<vmem>> -> memref<1x125xi32, #tpu.memory_space<vmem>>
      %dma_wait3A_141 = tpu.memref_squeeze %dma_wait3A_140 : memref<1x125xi32, #tpu.memory_space<vmem>> -> memref<125xi32, #tpu.memory_space<vmem>>
      %dma_wait3A_142 = arith.constant 0 : i32
      %dma_wait3A_143 = arith.constant 0 : i32
      %dma_wait3A_144 = tpu.memref_slice %arg2[%dma_wait3A_142, %dma_wait3A_143] : memref<10240x128xf32, #tpu.memory_space<hbm>> -> memref<10240x128xf32, #tpu.memory_space<hbm>>
      tpu.wait_indirect_dma semaphore(%arg17 : memref<!tpu.dma_semaphore, #tpu.memory_space<semaphore_mem>>) src(%dma_wait3A_144 : memref<10240x128xf32, #tpu.memory_space<hbm>>) dst(%arg10 : memref<125x128xf32, #tpu.memory_space<vmem>>)
      %run_scoped3A_145 = arith.constant 1 : i32
      "tpu.region"() ({
        %run_scoped3A_186 = tpu.sem_alloc : memref<!tpu.dma_semaphore, #tpu.memory_space<semaphore_mem>>
        %dma_start3A_187 = arith.constant 0 : i32
        %dma_start3A_188 = tpu.memref_slice %arg8[%run_scoped3A_145, %dma_start3A_187] : memref<2x125xi32, #tpu.memory_space<vmem>> -> memref<1x125xi32, #tpu.memory_space<vmem>>
        %dma_start3A_189 = tpu.memref_squeeze %dma_start3A_188 : memref<1x125xi32, #tpu.memory_space<vmem>> -> memref<125xi32, #tpu.memory_space<vmem>>
        %dma_start3A_190 = arith.constant 0 : i32
        %dma_start3A_191 = arith.constant 0 : i32
        %dma_start3A_192 = tpu.memref_slice %arg12[%dma_start3A_190, %dma_start3A_191] : memref<10240x128xf32, #tpu.memory_space<vmem_shared>> -> memref<10240x128xf32, #tpu.memory_space<vmem_shared>>
        tpu.enqueue_indirect_dma source(%arg10 : memref<125x128xf32, #tpu.memory_space<vmem>>) target(%dma_start3A_192 : memref<10240x128xf32, #tpu.memory_space<vmem_shared>>) offsets(%dma_start3A_189 : memref<125xi32, #tpu.memory_space<vmem>>) semaphore(%run_scoped3A_186 : memref<!tpu.dma_semaphore, #tpu.memory_space<semaphore_mem>>) {add = true}
        %dma_wait3A_193 = arith.constant 0 : i32
        %dma_wait3A_194 = tpu.memref_slice %arg8[%run_scoped3A_145, %dma_wait3A_193] : memref<2x125xi32, #tpu.memory_space<vmem>> -> memref<1x125xi32, #tpu.memory_space<vmem>>
        %dma_wait3A_195 = tpu.memref_squeeze %dma_wait3A_194 : memref<1x125xi32, #tpu.memory_space<vmem>> -> memref<125xi32, #tpu.memory_space<vmem>>
        %dma_wait3A_196 = arith.constant 0 : i32
        %dma_wait3A_197 = arith.constant 0 : i32
        %dma_wait3A_198 = tpu.memref_slice %arg12[%dma_wait3A_196, %dma_wait3A_197] : memref<10240x128xf32, #tpu.memory_space<vmem_shared>> -> memref<10240x128xf32, #tpu.memory_space<vmem_shared>>
        tpu.wait_indirect_dma semaphore(%run_scoped3A_186 : memref<!tpu.dma_semaphore, #tpu.memory_space<semaphore_mem>>) src(%arg10 : memref<125x128xf32, #tpu.memory_space<vmem>>) dst(%dma_wait3A_198 : memref<10240x128xf32, #tpu.memory_space<vmem_shared>>)
        tpu.yield
      }) : () -> ()
      %add3A_146 = arith.constant 4 : i32
      %add3A_147 = arith.addi %add3A_137, %add3A_146 : i32
      %lt3A_148 = arith.constant 80 : i32
      %lt3A_149 = arith.cmpi slt, %add3A_147, %lt3A_148 : i32
      %convert_element_type3A_150 = arith.extui %lt3A_149 : i1 to i32
      %cond3A_151 = arith.constant 0 : i32
      %cond3A_152 = arith.cmpi ne, %convert_element_type3A_150, %cond3A_151 : i32
      scf.if %cond3A_152 {
        %add3A_186 = arith.constant 4 : i32
        %add3A_187 = arith.addi %add3A_137, %add3A_186 : i32
        %dma_start3A_188 = arith.constant 0 : i32
        %dma_start3A_189 = arith.constant 0 : i32
        %dma_start3A_190 = tpu.memref_slice %arg3[%add3A, %add3A_187, %dma_start3A_188, %dma_start3A_189] : memref<32x80x2x125xi32, #tpu.memory_space<hbm>> -> memref<1x1x2x125xi32, #tpu.memory_space<hbm>>
        %dma_start3A_191 = tpu.memref_squeeze %dma_start3A_190 : memref<1x1x2x125xi32, #tpu.memory_space<hbm>> -> memref<2x125xi32, #tpu.memory_space<hbm>>
        %dma_start3A_192 = arith.constant 0 : i32
        %dma_start3A_193 = arith.constant 0 : i32
        %dma_start3A_194 = tpu.memref_slice %arg3[%add3A, %add3A_187, %dma_start3A_192, %dma_start3A_193] : memref<32x80x2x125xi32, #tpu.memory_space<hbm>> -> memref<1x1x2x125xi32, #tpu.memory_space<hbm>>
        %dma_start3A_195 = tpu.memref_squeeze %dma_start3A_194 : memref<1x1x2x125xi32, #tpu.memory_space<hbm>> -> memref<2x125xi32, #tpu.memory_space<hbm>>
        tpu.enqueue_dma source(%dma_start3A_195 : memref<2x125xi32, #tpu.memory_space<hbm>>) target(%arg8 : memref<2x125xi32, #tpu.memory_space<vmem>>) target_semaphore(%arg15 : memref<!tpu.dma_semaphore, #tpu.memory_space<semaphore_mem>>)
      } else {
      }
      %add3A_153 = arith.constant 2 : i32
      %add3A_154 = arith.addi %add3A_137, %add3A_153 : i32
      %lt3A_155 = arith.constant 80 : i32
      %lt3A_156 = arith.cmpi slt, %add3A_154, %lt3A_155 : i32
      %convert_element_type3A_157 = arith.extui %lt3A_156 : i1 to i32
      %cond3A_158 = arith.constant 0 : i32
      %cond3A_159 = arith.cmpi ne, %convert_element_type3A_157, %cond3A_158 : i32
      scf.if %cond3A_159 {
        %add3A_186 = arith.constant 2 : i32
        %add3A_187 = arith.addi %add3A_137, %add3A_186 : i32
        %dma_wait3A_188 = arith.constant 0 : i32
        %dma_wait3A_189 = arith.constant 0 : i32
        %dma_wait3A_190 = tpu.memref_slice %arg3[%add3A, %add3A_187, %dma_wait3A_188, %dma_wait3A_189] : memref<32x80x2x125xi32, #tpu.memory_space<hbm>> -> memref<1x1x2x125xi32, #tpu.memory_space<hbm>>
        %dma_wait3A_191 = tpu.memref_squeeze %dma_wait3A_190 : memref<1x1x2x125xi32, #tpu.memory_space<hbm>> -> memref<2x125xi32, #tpu.memory_space<hbm>>
        %dma_wait3A_192 = arith.constant 0 : i32
        %dma_wait3A_193 = arith.constant 0 : i32
        %dma_wait3A_194 = tpu.memref_slice %arg3[%add3A, %add3A_187, %dma_wait3A_192, %dma_wait3A_193] : memref<32x80x2x125xi32, #tpu.memory_space<hbm>> -> memref<1x1x2x125xi32, #tpu.memory_space<hbm>>
        %dma_wait3A_195 = tpu.memref_squeeze %dma_wait3A_194 : memref<1x1x2x125xi32, #tpu.memory_space<hbm>> -> memref<2x125xi32, #tpu.memory_space<hbm>>
        tpu.wait_dma2 semaphore(%arg13 : memref<!tpu.dma_semaphore, #tpu.memory_space<semaphore_mem>>) src(%dma_wait3A_195 : memref<2x125xi32, #tpu.memory_space<hbm>>) dst(%arg6 : memref<2x125xi32, #tpu.memory_space<vmem>>)
        %dma_start3A_196 = arith.constant 0 : i32
        %dma_start3A_197 = arith.constant 0 : i32
        %dma_start3A_198 = tpu.memref_slice %arg6[%dma_start3A_196, %dma_start3A_197] : memref<2x125xi32, #tpu.memory_space<vmem>> -> memref<1x125xi32, #tpu.memory_space<vmem>>
        %dma_start3A_199 = tpu.memref_squeeze %dma_start3A_198 : memref<1x125xi32, #tpu.memory_space<vmem>> -> memref<125xi32, #tpu.memory_space<vmem>>
        %dma_start3A_200 = arith.constant 0 : i32
        %dma_start3A_201 = arith.constant 0 : i32
        %dma_start3A_202 = tpu.memref_slice %arg2[%dma_start3A_200, %dma_start3A_201] : memref<10240x128xf32, #tpu.memory_space<hbm>> -> memref<10240x128xf32, #tpu.memory_space<hbm>>
        tpu.enqueue_indirect_dma source(%dma_start3A_202 : memref<10240x128xf32, #tpu.memory_space<hbm>>) target(%arg10 : memref<125x128xf32, #tpu.memory_space<vmem>>) offsets(%dma_start3A_199 : memref<125xi32, #tpu.memory_space<vmem>>) semaphore(%arg17 : memref<!tpu.dma_semaphore, #tpu.memory_space<semaphore_mem>>)
      } else {
      }
      %mul3A_160 = arith.constant 4 : i32
      %mul3A_161 = arith.muli %mul3A_160, %scan3A_83 : i32
      %add3A_162 = arith.constant 3 : i32
      %add3A_163 = arith.addi %mul3A_161, %add3A_162 : i32
      %dma_wait3A_164 = arith.constant 0 : i32
      %dma_wait3A_165 = arith.constant 0 : i32
      %dma_wait3A_166 = tpu.memref_slice %arg9[%dma_wait3A_164, %dma_wait3A_165] : memref<2x125xi32, #tpu.memory_space<vmem>> -> memref<1x125xi32, #tpu.memory_space<vmem>>
      %dma_wait3A_167 = tpu.memref_squeeze %dma_wait3A_166 : memref<1x125xi32, #tpu.memory_space<vmem>> -> memref<125xi32, #tpu.memory_space<vmem>>
      %dma_wait3A_168 = arith.constant 0 : i32
      %dma_wait3A_169 = arith.constant 0 : i32
      %dma_wait3A_170 = tpu.memref_slice %arg2[%dma_wait3A_168, %dma_wait3A_169] : memref<10240x128xf32, #tpu.memory_space<hbm>> -> memref<10240x128xf32, #tpu.memory_space<hbm>>
      tpu.wait_indirect_dma semaphore(%arg18 : memref<!tpu.dma_semaphore, #tpu.memory_space<semaphore_mem>>) src(%dma_wait3A_170 : memref<10240x128xf32, #tpu.memory_space<hbm>>) dst(%arg11 : memref<125x128xf32, #tpu.memory_space<vmem>>)
      %run_scoped3A_171 = arith.constant 1 : i32
      "tpu.region"() ({
        %run_scoped3A_186 = tpu.sem_alloc : memref<!tpu.dma_semaphore, #tpu.memory_space<semaphore_mem>>
        %dma_start3A_187 = arith.constant 0 : i32
        %dma_start3A_188 = tpu.memref_slice %arg9[%run_scoped3A_171, %dma_start3A_187] : memref<2x125xi32, #tpu.memory_space<vmem>> -> memref<1x125xi32, #tpu.memory_space<vmem>>
        %dma_start3A_189 = tpu.memref_squeeze %dma_start3A_188 : memref<1x125xi32, #tpu.memory_space<vmem>> -> memref<125xi32, #tpu.memory_space<vmem>>
        %dma_start3A_190 = arith.constant 0 : i32
        %dma_start3A_191 = arith.constant 0 : i32
        %dma_start3A_192 = tpu.memref_slice %arg12[%dma_start3A_190, %dma_start3A_191] : memref<10240x128xf32, #tpu.memory_space<vmem_shared>> -> memref<10240x128xf32, #tpu.memory_space<vmem_shared>>
        tpu.enqueue_indirect_dma source(%arg11 : memref<125x128xf32, #tpu.memory_space<vmem>>) target(%dma_start3A_192 : memref<10240x128xf32, #tpu.memory_space<vmem_shared>>) offsets(%dma_start3A_189 : memref<125xi32, #tpu.memory_space<vmem>>) semaphore(%run_scoped3A_186 : memref<!tpu.dma_semaphore, #tpu.memory_space<semaphore_mem>>) {add = true}
        %dma_wait3A_193 = arith.constant 0 : i32
        %dma_wait3A_194 = tpu.memref_slice %arg9[%run_scoped3A_171, %dma_wait3A_193] : memref<2x125xi32, #tpu.memory_space<vmem>> -> memref<1x125xi32, #tpu.memory_space<vmem>>
        %dma_wait3A_195 = tpu.memref_squeeze %dma_wait3A_194 : memref<1x125xi32, #tpu.memory_space<vmem>> -> memref<125xi32, #tpu.memory_space<vmem>>
        %dma_wait3A_196 = arith.constant 0 : i32
        %dma_wait3A_197 = arith.constant 0 : i32
        %dma_wait3A_198 = tpu.memref_slice %arg12[%dma_wait3A_196, %dma_wait3A_197] : memref<10240x128xf32, #tpu.memory_space<vmem_shared>> -> memref<10240x128xf32, #tpu.memory_space<vmem_shared>>
        tpu.wait_indirect_dma semaphore(%run_scoped3A_186 : memref<!tpu.dma_semaphore, #tpu.memory_space<semaphore_mem>>) src(%arg11 : memref<125x128xf32, #tpu.memory_space<vmem>>) dst(%dma_wait3A_198 : memref<10240x128xf32, #tpu.memory_space<vmem_shared>>)
        tpu.yield
      }) : () -> ()
      %add3A_172 = arith.constant 4 : i32
      %add3A_173 = arith.addi %add3A_163, %add3A_172 : i32
      %lt3A_174 = arith.constant 80 : i32
      %lt3A_175 = arith.cmpi slt, %add3A_173, %lt3A_174 : i32
      %convert_element_type3A_176 = arith.extui %lt3A_175 : i1 to i32
      %cond3A_177 = arith.constant 0 : i32
      %cond3A_178 = arith.cmpi ne, %convert_element_type3A_176, %cond3A_177 : i32
      scf.if %cond3A_178 {
        %add3A_186 = arith.constant 4 : i32
        %add3A_187 = arith.addi %add3A_163, %add3A_186 : i32
        %dma_start3A_188 = arith.constant 0 : i32
        %dma_start3A_189 = arith.constant 0 : i32
        %dma_start3A_190 = tpu.memref_slice %arg3[%add3A, %add3A_187, %dma_start3A_188, %dma_start3A_189] : memref<32x80x2x125xi32, #tpu.memory_space<hbm>> -> memref<1x1x2x125xi32, #tpu.memory_space<hbm>>
        %dma_start3A_191 = tpu.memref_squeeze %dma_start3A_190 : memref<1x1x2x125xi32, #tpu.memory_space<hbm>> -> memref<2x125xi32, #tpu.memory_space<hbm>>
        %dma_start3A_192 = arith.constant 0 : i32
        %dma_start3A_193 = arith.constant 0 : i32
        %dma_start3A_194 = tpu.memref_slice %arg3[%add3A, %add3A_187, %dma_start3A_192, %dma_start3A_193] : memref<32x80x2x125xi32, #tpu.memory_space<hbm>> -> memref<1x1x2x125xi32, #tpu.memory_space<hbm>>
        %dma_start3A_195 = tpu.memref_squeeze %dma_start3A_194 : memref<1x1x2x125xi32, #tpu.memory_space<hbm>> -> memref<2x125xi32, #tpu.memory_space<hbm>>
        tpu.enqueue_dma source(%dma_start3A_195 : memref<2x125xi32, #tpu.memory_space<hbm>>) target(%arg9 : memref<2x125xi32, #tpu.memory_space<vmem>>) target_semaphore(%arg16 : memref<!tpu.dma_semaphore, #tpu.memory_space<semaphore_mem>>)
      } else {
      }
      %add3A_179 = arith.constant 2 : i32
      %add3A_180 = arith.addi %add3A_163, %add3A_179 : i32
      %lt3A_181 = arith.constant 80 : i32
      %lt3A_182 = arith.cmpi slt, %add3A_180, %lt3A_181 : i32
      %convert_element_type3A_183 = arith.extui %lt3A_182 : i1 to i32
      %cond3A_184 = arith.constant 0 : i32
      %cond3A_185 = arith.cmpi ne, %convert_element_type3A_183, %cond3A_184 : i32
      scf.if %cond3A_185 {
        %add3A_186 = arith.constant 2 : i32
        %add3A_187 = arith.addi %add3A_163, %add3A_186 : i32
        %dma_wait3A_188 = arith.constant 0 : i32
        %dma_wait3A_189 = arith.constant 0 : i32
        %dma_wait3A_190 = tpu.memref_slice %arg3[%add3A, %add3A_187, %dma_wait3A_188, %dma_wait3A_189] : memref<32x80x2x125xi32, #tpu.memory_space<hbm>> -> memref<1x1x2x125xi32, #tpu.memory_space<hbm>>
        %dma_wait3A_191 = tpu.memref_squeeze %dma_wait3A_190 : memref<1x1x2x125xi32, #tpu.memory_space<hbm>> -> memref<2x125xi32, #tpu.memory_space<hbm>>
        %dma_wait3A_192 = arith.constant 0 : i32
        %dma_wait3A_193 = arith.constant 0 : i32
        %dma_wait3A_194 = tpu.memref_slice %arg3[%add3A, %add3A_187, %dma_wait3A_192, %dma_wait3A_193] : memref<32x80x2x125xi32, #tpu.memory_space<hbm>> -> memref<1x1x2x125xi32, #tpu.memory_space<hbm>>
        %dma_wait3A_195 = tpu.memref_squeeze %dma_wait3A_194 : memref<1x1x2x125xi32, #tpu.memory_space<hbm>> -> memref<2x125xi32, #tpu.memory_space<hbm>>
        tpu.wait_dma2 semaphore(%arg14 : memref<!tpu.dma_semaphore, #tpu.memory_space<semaphore_mem>>) src(%dma_wait3A_195 : memref<2x125xi32, #tpu.memory_space<hbm>>) dst(%arg7 : memref<2x125xi32, #tpu.memory_space<vmem>>)
        %dma_start3A_196 = arith.constant 0 : i32
        %dma_start3A_197 = arith.constant 0 : i32
        %dma_start3A_198 = tpu.memref_slice %arg7[%dma_start3A_196, %dma_start3A_197] : memref<2x125xi32, #tpu.memory_space<vmem>> -> memref<1x125xi32, #tpu.memory_space<vmem>>
        %dma_start3A_199 = tpu.memref_squeeze %dma_start3A_198 : memref<1x125xi32, #tpu.memory_space<vmem>> -> memref<125xi32, #tpu.memory_space<vmem>>
        %dma_start3A_200 = arith.constant 0 : i32
        %dma_start3A_201 = arith.constant 0 : i32
        %dma_start3A_202 = tpu.memref_slice %arg2[%dma_start3A_200, %dma_start3A_201] : memref<10240x128xf32, #tpu.memory_space<hbm>> -> memref<10240x128xf32, #tpu.memory_space<hbm>>
        tpu.enqueue_indirect_dma source(%dma_start3A_202 : memref<10240x128xf32, #tpu.memory_space<hbm>>) target(%arg11 : memref<125x128xf32, #tpu.memory_space<vmem>>) offsets(%dma_start3A_199 : memref<125xi32, #tpu.memory_space<vmem>>) semaphore(%arg18 : memref<!tpu.dma_semaphore, #tpu.memory_space<semaphore_mem>>)
      } else {
      }
    }
    %scan3A_77 = arith.constant 20 : i32
    %barrier3A_78 = arith.constant 0 : index
    tpu.barrier barrier_id(%barrier3A_78)
    %mul3A_79 = arith.constant 640 : i32
    %mul3A_80 = arith.muli %arg1, %mul3A_79 : i32
    %mul3A_81 = arith.constant 640 : i32
    %mul3A_82 = arith.muli %arg1, %mul3A_81 : i32
    "tpu.region"() ({
      %run_scoped3A = tpu.sem_alloc : memref<!tpu.dma_semaphore, #tpu.memory_space<semaphore_mem>>
      %dma_start3A_83 = arith.constant 0 : i32
      %dma_start3A_84 = tpu.memref_slice %arg5[%arg0, %mul3A_82, %dma_start3A_83] : memref<2x10240x128xf32, #tpu.memory_space<hbm>> -> memref<1x640x128xf32, #tpu.memory_space<hbm>>
      %dma_start3A_85 = tpu.memref_squeeze %dma_start3A_84 : memref<1x640x128xf32, #tpu.memory_space<hbm>> -> memref<640x128xf32, #tpu.memory_space<hbm>>
      %dma_start3A_86 = arith.constant 0 : i32
      %dma_start3A_87 = tpu.memref_slice %arg12[%mul3A_80, %dma_start3A_86] : memref<10240x128xf32, #tpu.memory_space<vmem_shared>> -> memref<640x128xf32, #tpu.memory_space<vmem_shared>>
      tpu.enqueue_dma source(%dma_start3A_87 : memref<640x128xf32, #tpu.memory_space<vmem_shared>>) target(%dma_start3A_85 : memref<640x128xf32, #tpu.memory_space<hbm>>) target_semaphore(%run_scoped3A : memref<!tpu.dma_semaphore, #tpu.memory_space<semaphore_mem>>)
      %dma_wait3A_88 = arith.constant 0 : i32
      %dma_wait3A_89 = tpu.memref_slice %arg5[%arg0, %mul3A_82, %dma_wait3A_88] : memref<2x10240x128xf32, #tpu.memory_space<hbm>> -> memref<1x640x128xf32, #tpu.memory_space<hbm>>
      %dma_wait3A_90 = tpu.memref_squeeze %dma_wait3A_89 : memref<1x640x128xf32, #tpu.memory_space<hbm>> -> memref<640x128xf32, #tpu.memory_space<hbm>>
      %dma_wait3A_91 = arith.constant 0 : i32
      %dma_wait3A_92 = tpu.memref_slice %arg12[%mul3A_80, %dma_wait3A_91] : memref<10240x128xf32, #tpu.memory_space<vmem_shared>> -> memref<640x128xf32, #tpu.memory_space<vmem_shared>>
      tpu.wait_dma2 semaphore(%run_scoped3A : memref<!tpu.dma_semaphore, #tpu.memory_space<semaphore_mem>>) src(%dma_wait3A_92 : memref<640x128xf32, #tpu.memory_space<vmem_shared>>) dst(%dma_wait3A_90 : memref<640x128xf32, #tpu.memory_space<hbm>>)
      tpu.yield
    }) : () -> ()
    return
  }
}

module attributes {stable_mosaic.version = 14 : i64} {
  func.func @_mm_scale_body(%arg0: i32, %arg1: memref<32x10240xf32, #tpu.memory_space<vmem>>, %arg2: memref<2048x128xf32, #tpu.memory_space<vmem>>, %arg3: memref<128x128xf32, #tpu.memory_space<vmem>>, %arg4: memref<2048x128xf32, #tpu.memory_space<vmem>>) attributes {dimension_semantics = [#tpu.dimension_semantics<arbitrary>], iteration_bounds = array<i64: 5>, scalar_prefetch = 0 : i64, scratch_operands = 0 : i64, tpu.core_type = #tpu.core_type<tc>, window_params = [{pipeline_mode = #tpu.pipeline_mode<synchronous>, transform_indices = @transform_0, window_bounds = array<i64: 32, 10240>}, {transform_indices = @transform_1, window_bounds = array<i64: 2048, 128>}, {pipeline_mode = #tpu.pipeline_mode<synchronous>, transform_indices = @transform_2, window_bounds = array<i64: 128, 128>}, {transform_indices = @transform_3, window_bounds = array<i64: 2048, 128>}]} {
    %mul3A = arith.constant 2048 : i32
    %mul3A_0 = arith.muli %arg0, %mul3A : i32
    %get3A = arith.constant 0 : index
    %get3A_1 = arith.index_cast %mul3A_0 : i32 to index
    %get3A_2 = vector.load %arg1[%get3A, %get3A_1] : memref<32x10240xf32, #tpu.memory_space<vmem>>, vector<32x2048xf32>
    %reduce_sum3A = arith.constant dense<0.000000e+00> : vector<2048xf32>
    %reduce_sum3A_3 = vector.multi_reduction <add>, %get3A_2, %reduce_sum3A [0] : vector<32x2048xf32> to vector<2048xf32>
    %add3A = arith.constant 1.000000e+00 : f32
    %add3A_4 = vector.broadcast %add3A : f32 to vector<2048xf32>
    %add3A_5 = arith.addf %reduce_sum3A_3, %add3A_4 : vector<2048xf32>
    %rsqrt3A = math.rsqrt %add3A_5 : vector<2048xf32>
    %get3A_6 = arith.constant 0 : index
    %get3A_7 = arith.constant 0 : index
    %get3A_8 = vector.load %arg2[%get3A_6, %get3A_7] : memref<2048x128xf32, #tpu.memory_space<vmem>>, vector<2048x128xf32>
    %get3A_9 = arith.constant 0 : index
    %get3A_10 = arith.constant 0 : index
    %get3A_11 = vector.load %arg3[%get3A_9, %get3A_10] : memref<128x128xf32, #tpu.memory_space<vmem>>, vector<128x128xf32>
    %dot_general3A = arith.constant dense<0.000000e+00> : vector<2048x128xf32>
    %dot_general3A_12 = tpu.matmul %get3A_8, %get3A_11, %dot_general3A {dimension_numbers = #tpu.dot_dimension_numbers<[1], [0], [0], [1], [0, 0, 1, 1], [], []>, transpose_lhs_hint = false} : vector<2048x128xf32>, vector<128x128xf32>, vector<2048x128xf32> -> vector<2048x128xf32>
    %broadcast_in_dim3A = vector.shape_cast %rsqrt3A : vector<2048xf32> to vector<2048x1xf32>
    %mul3A_13 = vector.broadcast %broadcast_in_dim3A : vector<2048x1xf32> to vector<2048x128xf32>
    %mul3A_14 = arith.mulf %dot_general3A_12, %mul3A_13 : vector<2048x128xf32>
    %swap3A = arith.constant 0 : index
    %swap3A_15 = arith.constant 0 : index
    %swap3A_16 = vector.load %arg4[%swap3A, %swap3A_15] : memref<2048x128xf32, #tpu.memory_space<vmem>>, vector<2048x128xf32>
    tpu.vector_store %arg4[%swap3A, %swap3A_15], %mul3A_14 {strides = array<i32>} : memref<2048x128xf32, #tpu.memory_space<vmem>>, vector<2048x128xf32>,
    return
  }
  func.func @transform_0(%arg0: i32) -> (i32, i32) {
    %c0_i32 = arith.constant 0 : i32
    %c0_i32_0 = arith.constant 0 : i32
    %c0_i32_1 = arith.constant 0 : i32
    return %c0_i32, %c0_i32_0 : i32, i32
  }
  func.func @transform_1(%arg0: i32) -> (i32, i32) {
    %c0_i32 = arith.constant 0 : i32
    %c0_i32_0 = arith.constant 0 : i32
    return %arg0, %c0_i32 : i32, i32
  }
  func.func @transform_2(%arg0: i32) -> (i32, i32) {
    %c0_i32 = arith.constant 0 : i32
    %c0_i32_0 = arith.constant 0 : i32
    %c0_i32_1 = arith.constant 0 : i32
    return %c0_i32, %c0_i32_0 : i32, i32
  }
  func.func @transform_3(%arg0: i32) -> (i32, i32) {
    %c0_i32 = arith.constant 0 : i32
    %c0_i32_0 = arith.constant 0 : i32
    return %arg0, %c0_i32 : i32, i32
  }
}

module attributes {stable_mosaic.version = 14 : i64} {
  func.func @_layer2_body(%arg0: i32, %arg1: memref<32x10240xf32, #tpu.memory_space<vmem>>, %arg2: memref<2x2048x128xf32, #tpu.memory_space<vmem>>, %arg3: memref<1x128xf32, #tpu.memory_space<vmem>>, %arg4: memref<128x128xf32, #tpu.memory_space<vmem>>, %arg5: memref<2048x128xf32, #tpu.memory_space<vmem>>) attributes {dimension_semantics = [#tpu.dimension_semantics<arbitrary>], iteration_bounds = array<i64: 5>, scalar_prefetch = 0 : i64, scratch_operands = 0 : i64, tpu.core_type = #tpu.core_type<tc>, window_params = [{pipeline_mode = #tpu.pipeline_mode<synchronous>, transform_indices = @transform_0, window_bounds = array<i64: 32, 10240>}, {transform_indices = @transform_1, window_bounds = array<i64: 2, 2048, 128>}, {pipeline_mode = #tpu.pipeline_mode<synchronous>, transform_indices = @transform_2, window_bounds = array<i64: 1, 128>}, {pipeline_mode = #tpu.pipeline_mode<synchronous>, transform_indices = @transform_3, window_bounds = array<i64: 128, 128>}, {transform_indices = @transform_4, window_bounds = array<i64: 2048, 128>}]} {
    %mul3A = arith.constant 2048 : i32
    %mul3A_0 = arith.muli %arg0, %mul3A : i32
    %get3A = arith.constant 0 : index
    %get3A_1 = arith.index_cast %mul3A_0 : i32 to index
    %get3A_2 = vector.load %arg1[%get3A, %get3A_1] : memref<32x10240xf32, #tpu.memory_space<vmem>>, vector<32x2048xf32>
    %reduce_sum3A = arith.constant dense<0.000000e+00> : vector<2048xf32>
    %reduce_sum3A_3 = vector.multi_reduction <add>, %get3A_2, %reduce_sum3A [0] : vector<32x2048xf32> to vector<2048xf32>
    %add3A = arith.constant 1.000000e+00 : f32
    %add3A_4 = vector.broadcast %add3A : f32 to vector<2048xf32>
    %add3A_5 = arith.addf %reduce_sum3A_3, %add3A_4 : vector<2048xf32>
    %rsqrt3A = math.rsqrt %add3A_5 : vector<2048xf32>
    %get3A_6 = arith.constant 0 : index
    %get3A_7 = arith.constant 0 : index
    %get3A_8 = arith.constant 0 : index
    %get3A_9 = vector.load %arg2[%get3A_6, %get3A_7, %get3A_8] : memref<2x2048x128xf32, #tpu.memory_space<vmem>>, vector<1x2048x128xf32>
    %get3A_10 = vector.shape_cast %get3A_9 : vector<1x2048x128xf32> to vector<2048x128xf32>
    %get3A_11 = arith.constant 1 : index
    %get3A_12 = arith.constant 0 : index
    %get3A_13 = arith.constant 0 : index
    %get3A_14 = vector.load %arg2[%get3A_11, %get3A_12, %get3A_13] : memref<2x2048x128xf32, #tpu.memory_space<vmem>>, vector<1x2048x128xf32>
    %get3A_15 = vector.shape_cast %get3A_14 : vector<1x2048x128xf32> to vector<2048x128xf32>
    %add3A_16 = arith.addf %get3A_10, %get3A_15 : vector<2048x128xf32>
    %broadcast_in_dim3A = vector.shape_cast %rsqrt3A : vector<2048xf32> to vector<2048x1xf32>
    %mul3A_17 = vector.broadcast %broadcast_in_dim3A : vector<2048x1xf32> to vector<2048x128xf32>
    %mul3A_18 = arith.mulf %add3A_16, %mul3A_17 : vector<2048x128xf32>
    %get3A_19 = arith.constant 0 : index
    %get3A_20 = arith.constant 0 : index
    %get3A_21 = vector.load %arg3[%get3A_19, %get3A_20] : memref<1x128xf32, #tpu.memory_space<vmem>>, vector<1x128xf32>
    %add3A_22 = vector.broadcast %get3A_21 : vector<1x128xf32> to vector<2048x128xf32>
    %add3A_23 = arith.addf %mul3A_18, %add3A_22 : vector<2048x128xf32>
    %max3A = arith.constant 0.000000e+00 : f32
    %max3A_24 = vector.broadcast %max3A : f32 to vector<2048x128xf32>
    %max3A_25 = arith.maximumf %add3A_23, %max3A_24 : vector<2048x128xf32>
    %get3A_26 = arith.constant 0 : index
    %get3A_27 = arith.constant 0 : index
    %get3A_28 = vector.load %arg4[%get3A_26, %get3A_27] : memref<128x128xf32, #tpu.memory_space<vmem>>, vector<128x128xf32>
    %dot_general3A = arith.constant dense<0.000000e+00> : vector<2048x128xf32>
    %dot_general3A_29 = tpu.matmul %max3A_25, %get3A_28, %dot_general3A {dimension_numbers = #tpu.dot_dimension_numbers<[1], [0], [0], [1], [0, 0, 1, 1], [], []>, transpose_lhs_hint = false} : vector<2048x128xf32>, vector<128x128xf32>, vector<2048x128xf32> -> vector<2048x128xf32>
    %broadcast_in_dim3A_30 = vector.shape_cast %rsqrt3A : vector<2048xf32> to vector<2048x1xf32>
    %mul3A_31 = vector.broadcast %broadcast_in_dim3A_30 : vector<2048x1xf32> to vector<2048x128xf32>
    %mul3A_32 = arith.mulf %dot_general3A_29, %mul3A_31 : vector<2048x128xf32>
    %swap3A = arith.constant 0 : index
    %swap3A_33 = arith.constant 0 : index
    %swap3A_34 = vector.load %arg5[%swap3A, %swap3A_33] : memref<2048x128xf32, #tpu.memory_space<vmem>>, vector<2048x128xf32>
    tpu.vector_store %arg5[%swap3A, %swap3A_33], %mul3A_32 {strides = array<i32>} : memref<2048x128xf32, #tpu.memory_space<vmem>>, vector<2048x128xf32>,
    return
  }
  func.func @transform_0(%arg0: i32) -> (i32, i32) {
    %c0_i32 = arith.constant 0 : i32
    %c0_i32_0 = arith.constant 0 : i32
    %c0_i32_1 = arith.constant 0 : i32
    return %c0_i32, %c0_i32_0 : i32, i32
  }
  func.func @transform_1(%arg0: i32) -> (i32, i32, i32) {
    %c0_i32 = arith.constant 0 : i32
    %c0_i32_0 = arith.constant 0 : i32
    %c0_i32_1 = arith.constant 0 : i32
    return %c0_i32, %arg0, %c0_i32_0 : i32, i32, i32
  }
  func.func @transform_2(%arg0: i32) -> (i32, i32) {
    %c0_i32 = arith.constant 0 : i32
    %c0_i32_0 = arith.constant 0 : i32
    %c0_i32_1 = arith.constant 0 : i32
    return %c0_i32, %c0_i32_0 : i32, i32
  }
  func.func @transform_3(%arg0: i32) -> (i32, i32) {
    %c0_i32 = arith.constant 0 : i32
    %c0_i32_0 = arith.constant 0 : i32
    %c0_i32_1 = arith.constant 0 : i32
    return %c0_i32, %c0_i32_0 : i32, i32
  }
  func.func @transform_4(%arg0: i32) -> (i32, i32) {
    %c0_i32 = arith.constant 0 : i32
    %c0_i32_0 = arith.constant 0 : i32
    return %arg0, %c0_i32 : i32, i32
  }
}

module attributes {stable_mosaic.version = 14 : i64} {
  func.func @_final_body(%arg0: i32, %arg1: memref<32x10240xf32, #tpu.memory_space<vmem>>, %arg2: memref<2x2048x128xf32, #tpu.memory_space<vmem>>, %arg3: memref<1x128xf32, #tpu.memory_space<vmem>>, %arg4: memref<2048x128xf32, #tpu.memory_space<vmem>>) attributes {dimension_semantics = [#tpu.dimension_semantics<arbitrary>], iteration_bounds = array<i64: 5>, scalar_prefetch = 0 : i64, scratch_operands = 0 : i64, tpu.core_type = #tpu.core_type<tc>, window_params = [{pipeline_mode = #tpu.pipeline_mode<synchronous>, transform_indices = @transform_0, window_bounds = array<i64: 32, 10240>}, {transform_indices = @transform_1, window_bounds = array<i64: 2, 2048, 128>}, {pipeline_mode = #tpu.pipeline_mode<synchronous>, transform_indices = @transform_2, window_bounds = array<i64: 1, 128>}, {transform_indices = @transform_3, window_bounds = array<i64: 2048, 128>}]} {
    %mul3A = arith.constant 2048 : i32
    %mul3A_0 = arith.muli %arg0, %mul3A : i32
    %get3A = arith.constant 0 : index
    %get3A_1 = arith.index_cast %mul3A_0 : i32 to index
    %get3A_2 = vector.load %arg1[%get3A, %get3A_1] : memref<32x10240xf32, #tpu.memory_space<vmem>>, vector<32x2048xf32>
    %reduce_sum3A = arith.constant dense<0.000000e+00> : vector<2048xf32>
    %reduce_sum3A_3 = vector.multi_reduction <add>, %get3A_2, %reduce_sum3A [0] : vector<32x2048xf32> to vector<2048xf32>
    %add3A = arith.constant 1.000000e+00 : f32
    %add3A_4 = vector.broadcast %add3A : f32 to vector<2048xf32>
    %add3A_5 = arith.addf %reduce_sum3A_3, %add3A_4 : vector<2048xf32>
    %rsqrt3A = math.rsqrt %add3A_5 : vector<2048xf32>
    %get3A_6 = arith.constant 0 : index
    %get3A_7 = arith.constant 0 : index
    %get3A_8 = arith.constant 0 : index
    %get3A_9 = vector.load %arg2[%get3A_6, %get3A_7, %get3A_8] : memref<2x2048x128xf32, #tpu.memory_space<vmem>>, vector<1x2048x128xf32>
    %get3A_10 = vector.shape_cast %get3A_9 : vector<1x2048x128xf32> to vector<2048x128xf32>
    %get3A_11 = arith.constant 1 : index
    %get3A_12 = arith.constant 0 : index
    %get3A_13 = arith.constant 0 : index
    %get3A_14 = vector.load %arg2[%get3A_11, %get3A_12, %get3A_13] : memref<2x2048x128xf32, #tpu.memory_space<vmem>>, vector<1x2048x128xf32>
    %get3A_15 = vector.shape_cast %get3A_14 : vector<1x2048x128xf32> to vector<2048x128xf32>
    %add3A_16 = arith.addf %get3A_10, %get3A_15 : vector<2048x128xf32>
    %broadcast_in_dim3A = vector.shape_cast %rsqrt3A : vector<2048xf32> to vector<2048x1xf32>
    %mul3A_17 = vector.broadcast %broadcast_in_dim3A : vector<2048x1xf32> to vector<2048x128xf32>
    %mul3A_18 = arith.mulf %add3A_16, %mul3A_17 : vector<2048x128xf32>
    %get3A_19 = arith.constant 0 : index
    %get3A_20 = arith.constant 0 : index
    %get3A_21 = vector.load %arg3[%get3A_19, %get3A_20] : memref<1x128xf32, #tpu.memory_space<vmem>>, vector<1x128xf32>
    %add3A_22 = vector.broadcast %get3A_21 : vector<1x128xf32> to vector<2048x128xf32>
    %add3A_23 = arith.addf %mul3A_18, %add3A_22 : vector<2048x128xf32>
    %swap3A = arith.constant 0 : index
    %swap3A_24 = arith.constant 0 : index
    %swap3A_25 = vector.load %arg4[%swap3A, %swap3A_24] : memref<2048x128xf32, #tpu.memory_space<vmem>>, vector<2048x128xf32>
    tpu.vector_store %arg4[%swap3A, %swap3A_24], %add3A_23 {strides = array<i32>} : memref<2048x128xf32, #tpu.memory_space<vmem>>, vector<2048x128xf32>,
    return
  }
  func.func @transform_0(%arg0: i32) -> (i32, i32) {
    %c0_i32 = arith.constant 0 : i32
    %c0_i32_0 = arith.constant 0 : i32
    %c0_i32_1 = arith.constant 0 : i32
    return %c0_i32, %c0_i32_0 : i32, i32
  }
  func.func @transform_1(%arg0: i32) -> (i32, i32, i32) {
    %c0_i32 = arith.constant 0 : i32
    %c0_i32_0 = arith.constant 0 : i32
    %c0_i32_1 = arith.constant 0 : i32
    return %c0_i32, %arg0, %c0_i32_0 : i32, i32, i32
  }
  func.func @transform_2(%arg0: i32) -> (i32, i32) {
    %c0_i32 = arith.constant 0 : i32
    %c0_i32_0 = arith.constant 0 : i32
    %c0_i32_1 = arith.constant 0 : i32
    return %c0_i32, %c0_i32_0 : i32, i32
  }
  func.func @transform_3(%arg0: i32) -> (i32, i32) {
    %c0_i32 = arith.constant 0 : i32
    %c0_i32_0 = arith.constant 0 : i32
    return %arg0, %c0_i32 : i32, i32
  }
}

</mosaic_0001>

<sc_bundles>
// kernel: kernel.11.cloned.1.call-start
scs
__scs_entry_jumppad:
0x0: {  	(pc) =	sbr.rel $0x88, $3  }
0x1: {  	(tag) =	ssettag $0x0;
	lr =	simm.s32 $0x1  }
0x2: {  	[smem:$0x3F9B] =	sst lr;
	_ =	strace $0xD0000000  }
0x3: {  	_ = 	snop  }
0x4: {  	_ = 	snop  }
0x5: {  	_ = 	snop  }
0x6: {  	_ = 	snop  }
0x7: {  	_ = 	snop  }
__scs_overlays_trampoline_lowered:
0x8: {  	[smem:$0x3FAA] =	sst s0  }
0x9: {  	[smem:$0x3FAB] =	sst s1  }
0xa: {  	[smem:$0x3FAC] =	sst s2  }
0xb: {  	[smem:$0x3FAD] =	sst s3  }
0xc: {  	[smem:$0x3FAE] =	sst s4  }
0xd: {  	[smem:$0x3FAF] =	sst s5  }
0xe: {  	[smem:$0x3FB0] =	sst s6  }
0xf: {  	[smem:$0x3FB1] =	sst s7  }
0x10: {  	[smem:$0x3FB2] =	sst s8  }
0x11: {  	[smem:$0x3FB3] =	sst s9;
	s0 =	simm.s32 @!p0 $0x0  }
0x12: {  	s1 =	sld [smem:$0x3F99];
	s0 =	simm.s32 @p0 $0x1  }
0x13: {  	[smem:$0x3FB4] =	sst s0;
	s0 =	simm.s32 @!p1 $0x0  }
0x14: {  	s2 =	sld [smem:$0x3F98];
	s0 =	simm.s32 @p1 $0x1  }
0x15: {  	[smem:$0x3FB5] =	sst s0;
	s0 =	simm.s32 @!p2 $0x0  }
0x16: {  	s3 =	sld [smem:$0x3FDB];
	s0 =	simm.s32 @p2 $0x1  }
0x17: {  	s4 =	simm.s32 $0x1BF5;
	[smem:$0x3FB7] =	sst s0  }
0x18: {  	s0 =	sld [smem:$0x3F9A];
	_ =	swait.ge [sflag:s4], $0x0  }
0x19: {  	s7 =	sld [smem:$0x3F9B]  }
0x1a: {  	s8 =	sadd.s32 $0xFFFFE003, lr  }
0x1b: {  	s9 =	sadd.s32 $0xFFFFFEF7, lr;
	s5 =	simm.s32 $0xFFFFFFFF;
	p2 =	slt.u32 s8, $0xFFFFF086  }
0x1c: {  	p1 =	slt.u32 s9, $0xF7A;
	s5 =	simm.s32 @!p2 $0x0  }
0x1d: {  	s5 =	simm.s32 @p1 $0x1;
	p0 =	seq.s32 s7, s2  }
0x1e: {  	s7 =	smul.u32 @!p0 $0xF7A, s2;
	p2 =	seq.s32 @!p0 s5, $0x0  }
0x1f: {  	s9 =	smul.u32 $0xF7A, s1;
	s8 =	simm.s32 @!p0 $0x1BF5;
	p2 =	por !p2, p0  }
0x20: {  	[sflag:s8] =	ssyncset.s32 @!p0 $0xFFFFF086;
	s6 =	sadd.s32 @!p0 s3, s7;
	s7 =	simm.s32 @!p0 $0x108  }
0x21: {  	s3 =	sadd.s32 s3, s9;
	s6 =	sadd.s32 @!p0 $0x88, s6;
	s7 =	simm.s32 @p2 $0x1082  }
0x22: {  	[simem:s7], [sflag:s8] =	dma.local @!p0 [hbm:s6], $0xF7A  }
0x23: {  	s9 =	sor.u32 $0xD0000000, s2;
	s6 =	simm.s32 $0x108;
	_ =	swait.ge @!p0 [sflag:s8], $0x0  }
0x24: {  	s3 =	sadd.s32 $0x88, s3;
	s6 =	simm.s32 @!p1 $0x1082;
	[sflag:s4] =	ssyncset.s32 $0xFFFFF086  }
0x25: {  	[simem:s6], [sflag:s4] =	dma.local [hbm:s3], $0xF7A  }
0x26: {  	[smem:$0x3F9B] =	sst s1;
	(tag) =	ssettag s2;
	_ =	strace s9  }
0x27: {  	s1 =	sld [smem:$0x3FAB]  }
0x28: {  	s2 =	sld [smem:$0x3FAC]  }
0x29: {  	s4 =	sld [smem:$0x3FAE]  }
0x2a: {  	p0 =	seq.s32 s5, $0x0;
	s5 =	sld [smem:$0x3FAF]  }
0x2b: {  	s6 =	sld [smem:$0x3FB0]  }
0x2c: {  	s7 =	sld [smem:$0x3FB1]  }
0x2d: {  	s3 =	simm.s32 $0x108;
	s8 =	sld [smem:$0x3FB2]  }
0x2e: {  	s3 =	simm.s32 @!p0 $0x1082;
	s9 =	sld [smem:$0x3FB3]  }
0x2f: {  	lr =	sadd.s32 s0, s3;
	s0 =	sld [smem:$0x3FAA]  }
0x30: {  	s3 =	sld [smem:$0x3FAD]  }
0x31: {  	[smem:$0x3FB6] =	sst s10  }
0x32: {  	s10 =	sld [smem:$0x3FB4];
	_ =	sdelay $0x3  }
0x33: {  	p0 =	seq.s32 s10, $0x1;
	s10 =	sld [smem:$0x3FB6];
	_ =	sdelay $0x3  }
0x34: {  	[smem:$0x3FB6] =	sst s10  }
0x35: {  	s10 =	sld [smem:$0x3FB5];
	_ =	sdelay $0x3  }
0x36: {  	p1 =	seq.s32 s10, $0x1;
	s10 =	sld [smem:$0x3FB6];
	_ =	sdelay $0x3  }
0x37: {  	[smem:$0x3FB6] =	sst s10  }
0x38: {  	s10 =	sld [smem:$0x3FB7]  }
0x39: {  	_ = 	snop;
	(pc) =	sbr.ind lr, $3  }
0x3a: {  	_ = 	snop  }
0x3b: {  	_ = 	snop  }
0x3c: {  	p2 =	seq.s32 s10, $0x1;
	s10 =	sld [smem:$0x3FB6]  }
0x3d: {  	_ =	shalt  }
0x3e: {  	_ =	shalt  }
0x3f: {  	_ =	shalt  }
0x40: {  	_ =	shalt  }
0x41: {  	_ =	shalt  }
0x42: {  	_ =	shalt  }
0x43: {  	_ =	shalt  }
0x44: {  	_ =	shalt  }
0x45: {  	_ =	shalt  }
0x46: {  	_ =	shalt  }
0x47: {  	_ =	shalt  }
0x48: {  	_ =	shalt  }
0x49: {  	_ =	shalt  }
0x4a: {  	_ =	shalt  }
0x4b: {  	_ =	shalt  }
0x4c: {  	_ =	shalt  }
0x4d: {  	_ =	shalt  }
0x4e: {  	_ =	shalt  }
0x4f: {  	_ =	shalt  }
0x50: {  	_ =	shalt  }
0x51: {  	_ =	shalt  }
0x52: {  	_ =	shalt  }
0x53: {  	_ =	shalt  }
0x54: {  	_ =	shalt  }
0x55: {  	_ =	shalt  }
0x56: {  	_ =	shalt  }
0x57: {  	_ =	shalt  }
0x58: {  	_ =	shalt  }
0x59: {  	_ =	shalt  }
0x5a: {  	_ =	shalt  }
0x5b: {  	_ =	shalt  }
0x5c: {  	_ =	shalt  }
0x5d: {  	_ =	shalt  }
0x5e: {  	_ =	shalt  }
0x5f: {  	_ =	shalt  }
0x60: {  	_ =	shalt  }
0x61: {  	_ =	shalt  }
0x62: {  	_ =	shalt  }
0x63: {  	_ =	shalt  }
0x64: {  	_ =	shalt  }
0x65: {  	_ =	shalt  }
0x66: {  	_ =	shalt  }
0x67: {  	_ =	shalt  }
0x68: {  	_ =	shalt  }
0x69: {  	_ =	shalt  }
0x6a: {  	_ =	shalt  }
0x6b: {  	_ =	shalt  }
0x6c: {  	_ =	shalt  }
0x6d: {  	_ =	shalt  }
0x6e: {  	_ =	shalt  }
0x6f: {  	_ =	shalt  }
0x70: {  	_ =	shalt  }
0x71: {  	_ =	shalt  }
0x72: {  	_ =	shalt  }
0x73: {  	_ =	shalt  }
0x74: {  	_ =	shalt  }
0x75: {  	_ =	shalt  }
0x76: {  	_ =	shalt  }
0x77: {  	_ =	shalt  }
0x78: {  	_ =	shalt  }
0x79: {  	_ =	shalt  }
0x7a: {  	_ =	shalt  }
0x7b: {  	_ =	shalt  }
0x7c: {  	_ =	shalt  }
0x7d: {  	_ =	shalt  }
0x7e: {  	_ =	shalt  }
0x7f: {  	_ =	shalt  }
0x80: {  	_ =	shalt  }
0x81: {  	_ =	shalt  }
0x82: {  	_ =	shalt  }
0x83: {  	_ =	shalt  }
0x84: {  	_ =	shalt  }
0x85: {  	_ =	shalt  }
0x86: {  	_ =	shalt  }
0x87: {  	_ =	shalt  }
.Lfunc_end0:
.L_simem_size_0:
called_computation.1_lowered:
.L_overlay_start_0:
0x88: {  	s2 =	sld [smem:$0x3FD9]  }
0x89: {  	s3 =	sld [smem:$0x3FFE];
	_ =	sdelay $0x1  }
0x8a: {  	s1 =	srdreg.scid  }
0x8b: {  	s0 =	sand.u32 $0x1, s1  }
0x8c: {  	s17 =	sshll.u32 s0, $0xA;
	s2 =	sadd.s32 s3, s2  }
0x8d: {  	s2 =	sadd.s32 s2, s17  }
0x8e: {  	[smem:$0x3FC2] =	sst s2  }
0x8f: {  	_ = 	snop  }
0x90: {  	s2 =	sld [smem:$0x3FD0];
	(tm) =	ssettm $0x1  }
0x91: {  	s18 =	sld [smem:$0x3FFB];
	_ =	sdelay $0x3  }
0x92: {  	_ =	strace s18  }
0x93: {  	s3 =	sld [smem:$0x3FFC];
	_ =	sdelay $0x3  }
0x94: {  	_ =	strace s3  }
0x95: {  	s3 =	sld [smem:$0x3FFD];
	_ =	sdelay $0x3  }
0x96: {  	_ =	strace s3  }
0x97: {  	_ =	strace $0x8FFFFFFF  }
0x98: {  	s19 =	sld [smem:$0x3FDB];
	_ =	sdelay $0x1  }
0x99: {  	s4 =	simm.s32 $_scs_section_size  }
0x9a: {  	s5 =	simm.s32 $_size__tile_overlayer_lowered;
	s6 =	simm.s32 $_tile_overlayer_lowered  }
0x9b: {  	s22 =	simm.s32 $0x1BFF;
	s21 =	sshll.u32 s6, $0x1;
	s3 =	sadd.s32 s4, s19  }
0x9c: {  	s7 =	simm.s32 $0x0;
	s20 =	sshll.u32 s5, $0x1;
	s5 =	sadd.s32 s21, s3  }
0x9d: {  	[timem:s7], [sflag:s22] =	dma.local [hbm:s5], s20  }
0x9e: {  	_ =	swait.ge [sflag:s22], s20  }
0x9f: {  	s4 =	ssub.s32 $0x0, s20;
	[sflag:s22] =	ssyncset.done $0x0  }
0xa0: {  	[sflag:s22] =	ssyncadd.s32 s4;
	_ =	sdelay $0x1  }
0xa1: {  	s23 =	simm.s32 $0x1B8B  }
0xa2: {  	_ =	swait.ge [sflag:s23], $0x1  }
0xa3: {  	[sflag:s23] =	ssyncset.done $0x0  }
0xa4: {  	s25 =	simm.s32 $0x1B8E;
	s24 =	sld [smem:$0x3FFE];
	[sflag:s23] =	ssyncadd.s32 $0xFFFFFFFF  }
0xa5: {  	s26 =	simm.s32 $execute0_lowered;
	[smem:$0x3FD2] =	sst s25  }
0xa6: {  	s5 =	sshll.u32 s26, $0x1;
	_ =	strace $0x80000049;
	[dreg:$0x1] =	wrdreg $0xFFFFFFFF  }
0xa7: {  	s28 =	simm.s32 $_size_execute0_lowered;
	s3 =	sadd.s32 s3, s5;
	[dreg:$0x0] =	wrdreg $0x0  }
0xa8: {  	s5 =	sshll.u32 s28, $0x1;
	[dreg:$0x2] =	wrdreg s3  }
0xa9: {  	[dreg:$0x3] =	wrdreg s5  }
0xaa: {  	[dreg:$0x4] =	wrdreg $0xC0  }
0xab: {  	_ =	task [dreg:s7], $0x5FFFF  }
0xac: {  	[dreg:$0x1] =	wrdreg $0xFFFFFFFF  }
0xad: {  	[dreg:$0x0] =	wrdreg $0x60  }
0xae: {  	[dreg:$0x2] =	wrdreg s24  }
0xaf: {  	[dreg:$0x3] =	wrdreg s2  }
0xb0: {  	[dreg:$0x4] =	wrdreg $0x84000  }
0xb1: {  	[dreg:$0x5] =	wrdreg $0x9  }
0xb2: {  	_ =	task.clear_ibuf [dreg:s7], $0x6FFFF;
	_ =	strace $0x90000049  }
0xb3: {  	s29 =	simm.s32 $0x9;
	_ =	strace $0x8000004B  }
0xb4: {  	_ =	swait.ge [sflag:s29], $0x1  }
0xb5: {  	[sflag:s29] =	ssyncadd.s32 $0xFFFFFFFF  }
0xb6: {  	_ =	strace $0x9000004B  }
0xb7: {  	_ =	sfence  }
0xb8: {  	s30 =	sld [smem:$0x0];
	_ =	sdelay $0x2  }
0xb9: {  	s31 =	sshll.u32 s1, $0xD;
	s1 =	sshrl.u32 s1, $0x2  }
0xba: {  	s3 =	sand.u32 $0x4000, s31;
	s1 =	sadd.s32 s1, s30  }
0xbb: {  	s0 =	sor.u32 s3, s0;
	s1 =	sshll.u32 s1, $0x11  }
0xbc: {  	s0 =	sor.u32 s1, s0  }
0xbd: {  	s0 =	sadd.s32 $0x8F2B, s0  }
0xbe: {  	[sflag:s0] =	ssyncadd.remote.s32 $0x1  }
0xbf: {  	_ =	sfence.sel $0xFFFF  }
0xc0: {  	[dreg:$0x0] =	wrdreg $0xFFFFFFFF;
	(pc) =	sbr.abs _section_cstart, $3  }
0xc1: {  	[dreg:$0x1] =	wrdreg $0xFFFFFFFF  }
0xc2: {  	_ =	task.clear_ibuf [dreg:s7], $0x2FFFF;
	_ =	strace $0x9FFFFFFF  }
0xc3: {  	(tm) =	ssettm $0x7FFFFFFF  }
tec
execute0_lowered:
.L_overlay_start_1:
0x0: {  	(tag) =	ssettag $0x1  }
0x1: {  	s0 =	rddreg [dreg:$0x0]  }
0x2: {  	s2 =	rddreg [dreg:$0x1]  }
0x3: {  	s1 =	rddreg [dreg:$0x2]  }
0x4: {  	s3 =	srdreg.scid;
	s19 =	stileid.u32  }
0x5: {  	s28 =	simm.s32 $0x5;
	s29 =	simm.s32 $0x80;
	s7 =	smul.u32 $0x14000, s19  }
0x6: {  	s30 =	simm.s32 $0x3;
	s31 =	simm.s32 $0x6;
	s9 =	smul.u32 $0x50000, s19  }
0x7: {  	s6 =	sand.u32 $0x1, s3;
	s3 =	simm.s32 $0x0;
	s15 =	smul.u32 $0x5000, s19  }
0x8: {  	s4 =	sadd.s32 $0x1E00, s0;
	s17 =	smul.u32 $0x2800, s19;
	s26 =	sshll.u32 s19, $0x6  }
0x9: {  	s5 =	smul.u32 $0x140000, s6;
	[smem:$0x7FF] =	sst s3;
	s8 =	sshll.u32 s6, $0x4  }
0xa: {  	s13 =	ssub.s32 $0x2, s6;
	s11 =	smul.u32 $0x50000, s6;
	p0 =	sne.s32 s6, $0x0  }
0xb: {  	s6 =	simm.s32 $0x280;
	_ =	strace $0x8000004A;
	s12 =	sor.u32 s19, s8  }
0xc: {  	s8 =	sadd.s32 $0x29E00, s0;
	s10 =	sshrl.u32 s13, $0x1;
	s9 =	sshrl.u32 s9, $0x2  }
0xd: {  	s19 =	sor.u32 $0x1C07, s26;
	s26 =	simm.s32 $0x4400;
	s5 =	sadd.s32 s7, s5  }
0xe: {  	s7 =	smul.u32 $0x5000, s12;
	s10 =	ssub.s32 s13, s10;
	s20 =	sadd.s32 s9, s1  }
0xf: {  	s5 =	sshrl.u32 s5, $0x3;
	s21 =	smax.u32 s10, $0x1;
	s20 =	sshrl.u32 s20, $0x3  }
0x10: {  	s0 =	sadd.s32 s5, s0;
	s7 =	sshrl.u32 s7, $0x3;
	[dreg:$0xa] =	wrdreg s21  }
0x11: {  	s21 =	simm.s32 $0x7;
	s14 =	sadd.s32 s2, s7;
	s7 =	sadd.s32 s15, s11  }
0x12: {  	s0 =	sadd.s32 $0x2C600, s0;
	s12 =	sadd.s32 $0x20, s14;
	[dreg:$0x4] =	wrdreg s14  }
0x13: {  	s16 =	sadd.s32 $0x40, s14;
	s5 =	sadd.s32 $0x60, s14;
	[dreg:$0x9] =	wrdreg s0  }
0x14: {  	s18 =	sor.u32 $0x700, s7;
	s23 =	sor.u32 $0x600, s7;
	[dreg:$0x5] =	wrdreg s12  }
0x15: {  	s24 =	sor.u32 $0x500, s7;
	s7 =	sor.u32 $0x400, s7;
	[dreg:$0x6] =	wrdreg s16  }
0x16: {  	[dreg:$0x7] =	wrdreg s5;
	s5 =	sadd.s32 s4, s17;
	s22 =	sshrl.u32 s18, $0x3  }
0x17: {  	s0 =	sshrl.u32 s23, $0x3;
	s10 =	sshrl.u32 s24, $0x3;
	s25 =	sshrl.u32 s7, $0x3  }
0x18: {  	s16 =	simm.s32 $0x100;
	s17 =	simm.s32 $0x200;
	s18 =	simm.s32 $0x300  }
.Ltmp0:
0x19: {  	s23 =	simm.s32 $0x7D;
	s24 =	simm.s32 $0x400;
	(pc) =	sbr.rel .LBB2_1-.Ltmp0, $4  }
0x1a: {  	s7 =	simm.s32 $0x380;
	s12 =	sadd.s32 s22, s2;
	s13 =	sadd.s32 s0, s2  }
0x1b: {  	s14 =	sadd.s32 s10, s2;
	s15 =	sadd.s32 s25, s2;
	s5 =	smov.u32 @p0 s8  }
0x1c: {  	s22 =	simm.s32 $0x1;
	s25 =	simm.s32 $0x2;
	s0 =	simm.s32 $0x180  }
0x1d: {  	s2 =	simm.s32 $0x4;
	s8 =	simm.s32 $0x0;
	[dreg:$0x8] =	wrdreg s5  }
.LBB2_4:
0x1e: {  	_ =	swait.ge [sflag:s31], $0x3E80  }
0x1f: {  	[sflag:s31] =	ssyncset.done $0x0  }
0x20: {  	[sflag:s31] =	ssyncadd.s32 $0xFFFFC180  }
0x21: {  	[spmem:s1] =	stream.indirect.scatter.add.f32 [tilespmem:s26], [sflag:$0x7], $0x80, s7, s23, $0xb8;
	[tilespmem:$0x1C400] =	vst v63  }
0x22: {  	_ =	swait.ge [sflag:s21], $0x3E80  }
0x23: {  	[sflag:s21] =	ssyncset.done $0x0  }
0x24: {  	[sflag:s21] =	ssyncadd.s32 $0xFFFFC180  }
0x25: {  	[bflag:$0x0] =	sbarrier.arrive $0xFFFF  }
0x26: {  	s5 =	rddreg [dreg:$0x9]  }
0x27: {  	[hbm:s5], [sflag:s19] =	dma.local [spmem:s20], $0x2800  }
0x28: {  	_ =	swait.ge [sflag:s21], $0x2800  }
0x29: {  	s8 =	sadd.s32 $0x1, s8;
	s11 =	rddreg [dreg:$0xa]  }
0x2a: {  	p0 =	sne.s32 s8, s11  }
.Ltmp1:
0x2b: {  	_ = 	snop;
	(pc) =	sbr.rel @!p0 .LBB2_5-.Ltmp1, $3  }
0x2c: {  	_ =	sdelay $0x1  }
0x2d: {  	[sflag:s21] =	ssyncset.done $0x0  }
0x2e: {  	[sflag:s21] =	ssyncadd.s32 $0xFFFFD800  }
.LBB2_1:
0x2f: {  	s5 =	rddreg [dreg:$0x4]  }
0x30: {  	s11 =	rddreg [dreg:$0x5]  }
0x31: {  	[tilespmem:s3], [sflag:$0x1] =	stream.linear.gather [hbm4b:s5+s3], $0x100, $0x38;
	[tilespmem:$0x1C400] =	vst v63  }
0x32: {  	s9 =	rddreg [dreg:$0x6]  }
0x33: {  	[tilespmem:s16], [sflag:$0x2] =	stream.linear.gather [hbm4b:s11+s3], $0x100, $0x38;
	[tilespmem:$0x1C400] =	vst v63  }
0x34: {  	s10 =	rddreg [dreg:$0x7]  }
0x35: {  	[tilespmem:s17], [sflag:$0x3] =	stream.linear.gather [hbm4b:s9+s3], $0x100, $0x38;
	[tilespmem:$0x1C400] =	vst v63  }
0x36: {  	s11 =	rddreg [dreg:$0x8]  }
0x37: {  	[tilespmem:s18], [sflag:$0x4] =	stream.linear.gather [hbm4b:s10+s3], $0x100, $0x38;
	[tilespmem:$0x1C400] =	vst v63  }
0x38: {  	[spmem:s20], [sflag:s19] =	dma.local [hbm:s11], $0x2800  }
0x39: {  	_ =	swait.ge [sflag:s21], $0x2800  }
0x3a: {  	[sflag:s21] =	ssyncset.done $0x0  }
0x3b: {  	[sflag:s21] =	ssyncadd.s32 $0xFFFFD800  }
0x3c: {  	_ =	swait.ge [sflag:s22], $0x100  }
0x3d: {  	[sflag:s22] =	ssyncset.done $0x0  }
0x3e: {  	[sflag:s22] =	ssyncadd.s32 $0xFFFFFF00  }
0x3f: {  	[tilespmem:s24], [sflag:$0x5] =	stream.indirect.gather [hbm4b:s4+s23], $0x80, s3, s23, $0xb8;
	[tilespmem:$0x1C400] =	vst v63  }
0x40: {  	_ =	swait.ge [sflag:s25], $0x100  }
0x41: {  	[sflag:s25] =	ssyncset.done $0x0  }
0x42: {  	[sflag:s25] =	ssyncadd.s32 $0xFFFFFF00  }
0x43: {  	[tilespmem:s26], [sflag:$0x6] =	stream.indirect.gather [hbm4b:s4+s23], $0x80, s16, s23, $0xb8;
	[tilespmem:$0x1C400] =	vst v63  }
0x44: {  	s10 =	simm.s32 $0x0;
	[bflag:$0x0] =	sbarrier.arrive $0xFFFF  }
.LBB2_2:
0x45: {  	_ =	swait.ge [sflag:s28], $0x3E80  }
0x46: {  	[sflag:s28] =	ssyncset.done $0x0  }
0x47: {  	[sflag:s28] =	ssyncadd.s32 $0xFFFFC180  }
0x48: {  	[spmem:s1] =	stream.indirect.scatter.add.f32 [tilespmem:s24], [sflag:$0x7], $0x80, s29, s23, $0xb8;
	[tilespmem:$0x1C400] =	vst v63  }
0x49: {  	_ =	swait.ge [sflag:s21], $0x3E80  }
0x4a: {  	p0 =	seq.s32 s10, $0x980;
	[sflag:s21] =	ssyncset.done $0x0  }
0x4b: {  	s11 =	sadd.s32 @!p0 s10, s15;
	s5 =	simm.s32 @!p0 $0x0;
	[sflag:s21] =	ssyncadd.s32 $0xFFFFC180  }
0x4c: {  	[tilespmem:s5], [sflag:$0x1] =	stream.linear.gather @!p0 [hbm4b:s11+s5], $0x100, $0x38;
	[tilespmem:$0x1C400] =	vst v63  }
0x4d: {  	_ =	swait.ge [sflag:s30], $0x100  }
0x4e: {  	[sflag:s30] =	ssyncset.done $0x0  }
0x4f: {  	[sflag:s30] =	ssyncadd.s32 $0xFFFFFF00  }
0x50: {  	[tilespmem:s24], [sflag:$0x5] =	stream.indirect.gather [hbm4b:s4+s23], $0x80, s17, s23, $0xb8;
	[tilespmem:$0x1C400] =	vst v63  }
0x51: {  	_ =	swait.ge [sflag:s31], $0x3E80  }
0x52: {  	[sflag:s31] =	ssyncset.done $0x0  }
0x53: {  	[sflag:s31] =	ssyncadd.s32 $0xFFFFC180  }
0x54: {  	[spmem:s1] =	stream.indirect.scatter.add.f32 [tilespmem:s26], [sflag:$0x7], $0x80, s0, s23, $0xb8;
	[tilespmem:$0x1C400] =	vst v63  }
0x55: {  	_ =	swait.ge [sflag:s21], $0x3E80  }
0x56: {  	[sflag:s21] =	ssyncset.done $0x0  }
0x57: {  	s9 =	simm.s32 @!p0 $0x100;
	s11 =	sadd.s32 @!p0 s10, s14;
	[sflag:s21] =	ssyncadd.s32 $0xFFFFC180  }
0x58: {  	[tilespmem:s9], [sflag:$0x2] =	stream.linear.gather @!p0 [hbm4b:s11+s5], $0x100, $0x38;
	[tilespmem:$0x1C400] =	vst v63  }
0x59: {  	_ =	swait.ge [sflag:s2], $0x100  }
0x5a: {  	[sflag:s2] =	ssyncset.done $0x0  }
0x5b: {  	[sflag:s2] =	ssyncadd.s32 $0xFFFFFF00  }
0x5c: {  	[tilespmem:s26], [sflag:$0x6] =	stream.indirect.gather [hbm4b:s4+s23], $0x80, s18, s23, $0xb8;
	[tilespmem:$0x1C400] =	vst v63  }
0x5d: {  	_ =	swait.ge [sflag:s28], $0x3E80  }
0x5e: {  	[sflag:s28] =	ssyncset.done $0x0  }
.Ltmp2:
0x5f: {  	[sflag:s28] =	ssyncadd.s32 $0xFFFFC180;
	(pc) =	sbr.rel @p0 .LBB2_4-.Ltmp2, $4  }
0x60: {  	[spmem:s1] =	stream.indirect.scatter.add.f32 [tilespmem:s24], [sflag:$0x7], $0x80, s6, s23, $0xb8;
	[tilespmem:$0x1C400] =	vst v63  }
0x61: {  	_ =	swait.ge [sflag:s21], $0x3E80  }
0x62: {  	[sflag:s21] =	ssyncset.done $0x0  }
0x63: {  	[sflag:s21] =	ssyncadd.s32 $0xFFFFC180  }
0x64: {  	s5 =	sadd.s32 s10, s13  }
0x65: {  	[tilespmem:s17], [sflag:$0x3] =	stream.linear.gather [hbm4b:s5+s3], $0x100, $0x38;
	[tilespmem:$0x1C400] =	vst v63  }
0x66: {  	_ =	swait.ge [sflag:s22], $0x100  }
0x67: {  	[sflag:s22] =	ssyncset.done $0x0  }
0x68: {  	[sflag:s22] =	ssyncadd.s32 $0xFFFFFF00  }
0x69: {  	[tilespmem:s24], [sflag:$0x5] =	stream.indirect.gather [hbm4b:s4+s23], $0x80, s3, s23, $0xb8;
	[tilespmem:$0x1C400] =	vst v63  }
0x6a: {  	_ =	swait.ge [sflag:s31], $0x3E80  }
0x6b: {  	[sflag:s31] =	ssyncset.done $0x0  }
0x6c: {  	[sflag:s31] =	ssyncadd.s32 $0xFFFFC180  }
0x6d: {  	[spmem:s1] =	stream.indirect.scatter.add.f32 [tilespmem:s26], [sflag:$0x7], $0x80, s7, s23, $0xb8;
	[tilespmem:$0x1C400] =	vst v63  }
0x6e: {  	_ =	swait.ge [sflag:s21], $0x3E80  }
0x6f: {  	[sflag:s21] =	ssyncset.done $0x0  }
0x70: {  	s11 =	sadd.s32 s10, s12;
	[sflag:s21] =	ssyncadd.s32 $0xFFFFC180  }
0x71: {  	[tilespmem:s18], [sflag:$0x4] =	stream.linear.gather [hbm4b:s11+s3], $0x100, $0x38;
	[tilespmem:$0x1C400] =	vst v63  }
.Ltmp3:
0x72: {  	_ = 	snop;
	(pc) =	sbr.rel .LBB2_2-.Ltmp3, $4  }
0x73: {  	_ =	swait.ge [sflag:s25], $0x100  }
0x74: {  	[sflag:s25] =	ssyncset.done $0x0  }
0x75: {  	s10 =	sadd.s32 $0x80, s10;
	[sflag:s25] =	ssyncadd.s32 $0xFFFFFF00  }
0x76: {  	[tilespmem:s26], [sflag:$0x6] =	stream.indirect.gather [hbm4b:s4+s23], $0x80, s16, s23, $0xb8;
	[tilespmem:$0x1C400] =	vst v63  }
.LBB2_5:
0x77: {  	_ =	sfence.sel $0x180000  }
0x78: {  	[bflag:$0x0] =	sbarrier.arrive $0xFFFF  }
0x79: {  	_ =	strace $0x9000004A  }
0x7a: {  	s0 =	stileid.u32;
	[bflag:$0x2] =	sbarrier.arrive $0xFFFF  }
0x7b: {  	p0 =	sne.s32 s0, $0x0;
	s0 =	rddreg [dreg:$0x3]  }
0x7c: {  	s0 =	sadd.s32 @!p0 $0x100000, s0  }
0x7d: {  	[sflag:s0] =	ssyncadd.tile.s32 @!p0 $0x1;
	_ =	shalt  }
.Lfunc_end2:
_tile_overlayer_lowered:
.L_overlay_start_2:
0x7e: {  	(tag) =	ssettag $0x2  }
0x7f: {  	s0 =	rddreg [dreg:$0x0];
	s2 =	stileid.u32  }
0x80: {  	s1 =	rddreg [dreg:$0x1];
	p0 =	sne.s32 s2, $0x0  }
0x81: {  	s3 =	rddreg [dreg:$0x2];
	[bflag:$0x3] =	sbarrier.arrive $0xFFFF;
	s2 =	simm.s32 @!p0 $0x1C07  }
0x82: {  	[timem:s3], [sflag:s2] =	dma.local @!p0 [hbm:s0], s1  }
0x83: {  	s0 =	simm.s32 @!p0 $0x7  }
0x84: {  	_ =	swait.ge @!p0 [sflag:s0], s1  }
0x85: {  	s1 =	ssub.s32 @!p0 $0x0, s1;
	[sflag:s0] =	ssyncset.done @!p0 $0x0  }
0x86: {  	[sflag:s0] =	ssyncadd.s32 @!p0 s1  }
0x87: {  	[bflag:$0x3] =	sbarrier.arrive $0xFFFF  }
0x88: {  	_ =	shalt  }

// kernel: kernel.14.cloned.1.call-start
scs
__scs_entry_jumppad:
0x0: {  	(pc) =	sbr.rel $0x88, $3  }
0x1: {  	(tag) =	ssettag $0x0;
	lr =	simm.s32 $0x1  }
0x2: {  	[smem:$0x3F9B] =	sst lr;
	_ =	strace $0xD0000000  }
0x3: {  	_ = 	snop  }
0x4: {  	_ = 	snop  }
0x5: {  	_ = 	snop  }
0x6: {  	_ = 	snop  }
0x7: {  	_ = 	snop  }
__scs_overlays_trampoline_lowered:
0x8: {  	[smem:$0x3FAA] =	sst s0  }
0x9: {  	[smem:$0x3FAB] =	sst s1  }
0xa: {  	[smem:$0x3FAC] =	sst s2  }
0xb: {  	[smem:$0x3FAD] =	sst s3  }
0xc: {  	[smem:$0x3FAE] =	sst s4  }
0xd: {  	[smem:$0x3FAF] =	sst s5  }
0xe: {  	[smem:$0x3FB0] =	sst s6  }
0xf: {  	[smem:$0x3FB1] =	sst s7  }
0x10: {  	[smem:$0x3FB2] =	sst s8  }
0x11: {  	[smem:$0x3FB3] =	sst s9;
	s0 =	simm.s32 @!p0 $0x0  }
0x12: {  	s1 =	sld [smem:$0x3F99];
	s0 =	simm.s32 @p0 $0x1  }
0x13: {  	[smem:$0x3FB4] =	sst s0;
	s0 =	simm.s32 @!p1 $0x0  }
0x14: {  	s2 =	sld [smem:$0x3F98];
	s0 =	simm.s32 @p1 $0x1  }
0x15: {  	[smem:$0x3FB5] =	sst s0;
	s0 =	simm.s32 @!p2 $0x0  }
0x16: {  	s3 =	sld [smem:$0x3FDB];
	s0 =	simm.s32 @p2 $0x1  }
0x17: {  	s4 =	simm.s32 $0x1BF5;
	[smem:$0x3FB7] =	sst s0  }
0x18: {  	s0 =	sld [smem:$0x3F9A];
	_ =	swait.ge [sflag:s4], $0x0  }
0x19: {  	s7 =	sld [smem:$0x3F9B]  }
0x1a: {  	s8 =	sadd.s32 $0xFFFFE003, lr  }
0x1b: {  	s9 =	sadd.s32 $0xFFFFFEF7, lr;
	s5 =	simm.s32 $0xFFFFFFFF;
	p2 =	slt.u32 s8, $0xFFFFF086  }
0x1c: {  	p1 =	slt.u32 s9, $0xF7A;
	s5 =	simm.s32 @!p2 $0x0  }
0x1d: {  	s5 =	simm.s32 @p1 $0x1;
	p0 =	seq.s32 s7, s2  }
0x1e: {  	s7 =	smul.u32 @!p0 $0xF7A, s2;
	p2 =	seq.s32 @!p0 s5, $0x0  }
0x1f: {  	s9 =	smul.u32 $0xF7A, s1;
	s8 =	simm.s32 @!p0 $0x1BF5;
	p2 =	por !p2, p0  }
0x20: {  	[sflag:s8] =	ssyncset.s32 @!p0 $0xFFFFF086;
	s6 =	sadd.s32 @!p0 s3, s7;
	s7 =	simm.s32 @!p0 $0x108  }
0x21: {  	s3 =	sadd.s32 s3, s9;
	s6 =	sadd.s32 @!p0 $0x88, s6;
	s7 =	simm.s32 @p2 $0x1082  }
0x22: {  	[simem:s7], [sflag:s8] =	dma.local @!p0 [hbm:s6], $0xF7A  }
0x23: {  	s9 =	sor.u32 $0xD0000000, s2;
	s6 =	simm.s32 $0x108;
	_ =	swait.ge @!p0 [sflag:s8], $0x0  }
0x24: {  	s3 =	sadd.s32 $0x88, s3;
	s6 =	simm.s32 @!p1 $0x1082;
	[sflag:s4] =	ssyncset.s32 $0xFFFFF086  }
0x25: {  	[simem:s6], [sflag:s4] =	dma.local [hbm:s3], $0xF7A  }
0x26: {  	[smem:$0x3F9B] =	sst s1;
	(tag) =	ssettag s2;
	_ =	strace s9  }
0x27: {  	s1 =	sld [smem:$0x3FAB]  }
0x28: {  	s2 =	sld [smem:$0x3FAC]  }
0x29: {  	s4 =	sld [smem:$0x3FAE]  }
0x2a: {  	p0 =	seq.s32 s5, $0x0;
	s5 =	sld [smem:$0x3FAF]  }
0x2b: {  	s6 =	sld [smem:$0x3FB0]  }
0x2c: {  	s7 =	sld [smem:$0x3FB1]  }
0x2d: {  	s3 =	simm.s32 $0x108;
	s8 =	sld [smem:$0x3FB2]  }
0x2e: {  	s3 =	simm.s32 @!p0 $0x1082;
	s9 =	sld [smem:$0x3FB3]  }
0x2f: {  	lr =	sadd.s32 s0, s3;
	s0 =	sld [smem:$0x3FAA]  }
0x30: {  	s3 =	sld [smem:$0x3FAD]  }
0x31: {  	[smem:$0x3FB6] =	sst s10  }
0x32: {  	s10 =	sld [smem:$0x3FB4];
	_ =	sdelay $0x3  }
0x33: {  	p0 =	seq.s32 s10, $0x1;
	s10 =	sld [smem:$0x3FB6];
	_ =	sdelay $0x3  }
0x34: {  	[smem:$0x3FB6] =	sst s10  }
0x35: {  	s10 =	sld [smem:$0x3FB5];
	_ =	sdelay $0x3  }
0x36: {  	p1 =	seq.s32 s10, $0x1;
	s10 =	sld [smem:$0x3FB6];
	_ =	sdelay $0x3  }
0x37: {  	[smem:$0x3FB6] =	sst s10  }
0x38: {  	s10 =	sld [smem:$0x3FB7]  }
0x39: {  	_ = 	snop;
	(pc) =	sbr.ind lr, $3  }
0x3a: {  	_ = 	snop  }
0x3b: {  	_ = 	snop  }
0x3c: {  	p2 =	seq.s32 s10, $0x1;
	s10 =	sld [smem:$0x3FB6]  }
0x3d: {  	_ =	shalt  }
0x3e: {  	_ =	shalt  }
0x3f: {  	_ =	shalt  }
0x40: {  	_ =	shalt  }
0x41: {  	_ =	shalt  }
0x42: {  	_ =	shalt  }
0x43: {  	_ =	shalt  }
0x44: {  	_ =	shalt  }
0x45: {  	_ =	shalt  }
0x46: {  	_ =	shalt  }
0x47: {  	_ =	shalt  }
0x48: {  	_ =	shalt  }
0x49: {  	_ =	shalt  }
0x4a: {  	_ =	shalt  }
0x4b: {  	_ =	shalt  }
0x4c: {  	_ =	shalt  }
0x4d: {  	_ =	shalt  }
0x4e: {  	_ =	shalt  }
0x4f: {  	_ =	shalt  }
0x50: {  	_ =	shalt  }
0x51: {  	_ =	shalt  }
0x52: {  	_ =	shalt  }
0x53: {  	_ =	shalt  }
0x54: {  	_ =	shalt  }
0x55: {  	_ =	shalt  }
0x56: {  	_ =	shalt  }
0x57: {  	_ =	shalt  }
0x58: {  	_ =	shalt  }
0x59: {  	_ =	shalt  }
0x5a: {  	_ =	shalt  }
0x5b: {  	_ =	shalt  }
0x5c: {  	_ =	shalt  }
0x5d: {  	_ =	shalt  }
0x5e: {  	_ =	shalt  }
0x5f: {  	_ =	shalt  }
0x60: {  	_ =	shalt  }
0x61: {  	_ =	shalt  }
0x62: {  	_ =	shalt  }
0x63: {  	_ =	shalt  }
0x64: {  	_ =	shalt  }
0x65: {  	_ =	shalt  }
0x66: {  	_ =	shalt  }
0x67: {  	_ =	shalt  }
0x68: {  	_ =	shalt  }
0x69: {  	_ =	shalt  }
0x6a: {  	_ =	shalt  }
0x6b: {  	_ =	shalt  }
0x6c: {  	_ =	shalt  }
0x6d: {  	_ =	shalt  }
0x6e: {  	_ =	shalt  }
0x6f: {  	_ =	shalt  }
0x70: {  	_ =	shalt  }
0x71: {  	_ =	shalt  }
0x72: {  	_ =	shalt  }
0x73: {  	_ =	shalt  }
0x74: {  	_ =	shalt  }
0x75: {  	_ =	shalt  }
0x76: {  	_ =	shalt  }
0x77: {  	_ =	shalt  }
0x78: {  	_ =	shalt  }
0x79: {  	_ =	shalt  }
0x7a: {  	_ =	shalt  }
0x7b: {  	_ =	shalt  }
0x7c: {  	_ =	shalt  }
0x7d: {  	_ =	shalt  }
0x7e: {  	_ =	shalt  }
0x7f: {  	_ =	shalt  }
0x80: {  	_ =	shalt  }
0x81: {  	_ =	shalt  }
0x82: {  	_ =	shalt  }
0x83: {  	_ =	shalt  }
0x84: {  	_ =	shalt  }
0x85: {  	_ =	shalt  }
0x86: {  	_ =	shalt  }
0x87: {  	_ =	shalt  }
.Lfunc_end0:
.L_simem_size_0:
called_computation.2_lowered:
.L_overlay_start_0:
0x88: {  	s2 =	sld [smem:$0x3FD9]  }
0x89: {  	s3 =	sld [smem:$0x3FFE];
	_ =	sdelay $0x1  }
0x8a: {  	s1 =	srdreg.scid  }
0x8b: {  	s0 =	sand.u32 $0x1, s1  }
0x8c: {  	s17 =	sshll.u32 s0, $0xA;
	s2 =	sadd.s32 s3, s2  }
0x8d: {  	s2 =	sadd.s32 s2, s17  }
0x8e: {  	[smem:$0x3FC2] =	sst s2  }
0x8f: {  	_ = 	snop  }
0x90: {  	s2 =	sld [smem:$0x3FD0];
	(tm) =	ssettm $0x1  }
0x91: {  	s18 =	sld [smem:$0x3FFB];
	_ =	sdelay $0x3  }
0x92: {  	_ =	strace s18  }
0x93: {  	s3 =	sld [smem:$0x3FFC];
	_ =	sdelay $0x3  }
0x94: {  	_ =	strace s3  }
0x95: {  	s3 =	sld [smem:$0x3FFD];
	_ =	sdelay $0x3  }
0x96: {  	_ =	strace s3  }
0x97: {  	_ =	strace $0x8FFFFFFF  }
0x98: {  	s19 =	sld [smem:$0x3FDB];
	_ =	sdelay $0x1  }
0x99: {  	s4 =	simm.s32 $_scs_section_size  }
0x9a: {  	s5 =	simm.s32 $_size__tile_overlayer_lowered;
	s6 =	simm.s32 $_tile_overlayer_lowered  }
0x9b: {  	s22 =	simm.s32 $0x1BFF;
	s21 =	sshll.u32 s6, $0x1;
	s3 =	sadd.s32 s4, s19  }
0x9c: {  	s7 =	simm.s32 $0x0;
	s20 =	sshll.u32 s5, $0x1;
	s5 =	sadd.s32 s21, s3  }
0x9d: {  	[timem:s7], [sflag:s22] =	dma.local [hbm:s5], s20  }
0x9e: {  	_ =	swait.ge [sflag:s22], s20  }
0x9f: {  	s4 =	ssub.s32 $0x0, s20;
	[sflag:s22] =	ssyncset.done $0x0  }
0xa0: {  	[sflag:s22] =	ssyncadd.s32 s4;
	_ =	sdelay $0x1  }
0xa1: {  	s23 =	simm.s32 $0x1B8B  }
0xa2: {  	_ =	swait.ge [sflag:s23], $0x1  }
0xa3: {  	[sflag:s23] =	ssyncset.done $0x0  }
0xa4: {  	s25 =	simm.s32 $0x1B8E;
	s24 =	sld [smem:$0x3FFE];
	[sflag:s23] =	ssyncadd.s32 $0xFFFFFFFF  }
0xa5: {  	s26 =	simm.s32 $execute0_lowered;
	[smem:$0x3FD2] =	sst s25  }
0xa6: {  	s5 =	sshll.u32 s26, $0x1;
	_ =	strace $0x8000004C;
	[dreg:$0x1] =	wrdreg $0xFFFFFFFF  }
0xa7: {  	s28 =	simm.s32 $_size_execute0_lowered;
	s3 =	sadd.s32 s3, s5;
	[dreg:$0x0] =	wrdreg $0x0  }
0xa8: {  	s5 =	sshll.u32 s28, $0x1;
	[dreg:$0x2] =	wrdreg s3  }
0xa9: {  	[dreg:$0x3] =	wrdreg s5  }
0xaa: {  	[dreg:$0x4] =	wrdreg $0xC0  }
0xab: {  	_ =	task [dreg:s7], $0x5FFFF  }
0xac: {  	[dreg:$0x1] =	wrdreg $0xFFFFFFFF  }
0xad: {  	[dreg:$0x0] =	wrdreg $0x60  }
0xae: {  	[dreg:$0x2] =	wrdreg s24  }
0xaf: {  	[dreg:$0x3] =	wrdreg s2  }
0xb0: {  	[dreg:$0x4] =	wrdreg $0x84000  }
0xb1: {  	[dreg:$0x5] =	wrdreg $0x9  }
0xb2: {  	_ =	task.clear_ibuf [dreg:s7], $0x6FFFF;
	_ =	strace $0x9000004C  }
0xb3: {  	s29 =	simm.s32 $0x9;
	_ =	strace $0x8000004E  }
0xb4: {  	_ =	swait.ge [sflag:s29], $0x1  }
0xb5: {  	[sflag:s29] =	ssyncadd.s32 $0xFFFFFFFF  }
0xb6: {  	_ =	strace $0x9000004E  }
0xb7: {  	_ =	sfence  }
0xb8: {  	s30 =	sld [smem:$0x0];
	_ =	sdelay $0x2  }
0xb9: {  	s31 =	sshll.u32 s1, $0xD;
	s1 =	sshrl.u32 s1, $0x2  }
0xba: {  	s3 =	sand.u32 $0x4000, s31;
	s1 =	sadd.s32 s1, s30  }
0xbb: {  	s0 =	sor.u32 s3, s0;
	s1 =	sshll.u32 s1, $0x11  }
0xbc: {  	s0 =	sor.u32 s1, s0  }
0xbd: {  	s0 =	sadd.s32 $0x8F2B, s0  }
0xbe: {  	[sflag:s0] =	ssyncadd.remote.s32 $0x1  }
0xbf: {  	_ =	sfence.sel $0xFFFF  }
0xc0: {  	[dreg:$0x0] =	wrdreg $0xFFFFFFFF;
	(pc) =	sbr.abs _section_cstart, $3  }
0xc1: {  	[dreg:$0x1] =	wrdreg $0xFFFFFFFF  }
0xc2: {  	_ =	task.clear_ibuf [dreg:s7], $0x2FFFF;
	_ =	strace $0x9FFFFFFF  }
0xc3: {  	(tm) =	ssettm $0x7FFFFFFF  }
tec
execute0_lowered:
.L_overlay_start_1:
0x0: {  	(tag) =	ssettag $0x1  }
0x1: {  	s0 =	rddreg [dreg:$0x0]  }
0x2: {  	s2 =	rddreg [dreg:$0x1]  }
0x3: {  	s1 =	rddreg [dreg:$0x2]  }
0x4: {  	s3 =	srdreg.scid;
	s19 =	stileid.u32  }
0x5: {  	s28 =	simm.s32 $0x5;
	s29 =	simm.s32 $0x80;
	s7 =	smul.u32 $0x14000, s19  }
0x6: {  	s30 =	simm.s32 $0x3;
	s31 =	simm.s32 $0x6;
	s9 =	smul.u32 $0x50000, s19  }
0x7: {  	s6 =	sand.u32 $0x1, s3;
	s3 =	simm.s32 $0x0;
	s15 =	smul.u32 $0x5000, s19  }
0x8: {  	s4 =	sadd.s32 $0x1E00, s0;
	s17 =	smul.u32 $0x2800, s19;
	s26 =	sshll.u32 s19, $0x6  }
0x9: {  	s5 =	smul.u32 $0x140000, s6;
	[smem:$0x7FF] =	sst s3;
	s8 =	sshll.u32 s6, $0x4  }
0xa: {  	s13 =	ssub.s32 $0x2, s6;
	s11 =	smul.u32 $0x50000, s6;
	p0 =	sne.s32 s6, $0x0  }
0xb: {  	s6 =	simm.s32 $0x280;
	_ =	strace $0x8000004D;
	s12 =	sor.u32 s19, s8  }
0xc: {  	s8 =	sadd.s32 $0x29E00, s0;
	s10 =	sshrl.u32 s13, $0x1;
	s9 =	sshrl.u32 s9, $0x2  }
0xd: {  	s19 =	sor.u32 $0x1C07, s26;
	s26 =	simm.s32 $0x4400;
	s5 =	sadd.s32 s7, s5  }
0xe: {  	s7 =	smul.u32 $0x5000, s12;
	s10 =	ssub.s32 s13, s10;
	s20 =	sadd.s32 s9, s1  }
0xf: {  	s5 =	sshrl.u32 s5, $0x3;
	s21 =	smax.u32 s10, $0x1;
	s20 =	sshrl.u32 s20, $0x3  }
0x10: {  	s0 =	sadd.s32 s5, s0;
	s7 =	sshrl.u32 s7, $0x3;
	[dreg:$0xa] =	wrdreg s21  }
0x11: {  	s21 =	simm.s32 $0x7;
	s14 =	sadd.s32 s2, s7;
	s7 =	sadd.s32 s15, s11  }
0x12: {  	s0 =	sadd.s32 $0x2C600, s0;
	s12 =	sadd.s32 $0x20, s14;
	[dreg:$0x4] =	wrdreg s14  }
0x13: {  	s16 =	sadd.s32 $0x40, s14;
	s5 =	sadd.s32 $0x60, s14;
	[dreg:$0x9] =	wrdreg s0  }
0x14: {  	s18 =	sor.u32 $0x700, s7;
	s23 =	sor.u32 $0x600, s7;
	[dreg:$0x5] =	wrdreg s12  }
0x15: {  	s24 =	sor.u32 $0x500, s7;
	s7 =	sor.u32 $0x400, s7;
	[dreg:$0x6] =	wrdreg s16  }
0x16: {  	[dreg:$0x7] =	wrdreg s5;
	s5 =	sadd.s32 s4, s17;
	s22 =	sshrl.u32 s18, $0x3  }
0x17: {  	s0 =	sshrl.u32 s23, $0x3;
	s10 =	sshrl.u32 s24, $0x3;
	s25 =	sshrl.u32 s7, $0x3  }
0x18: {  	s16 =	simm.s32 $0x100;
	s17 =	simm.s32 $0x200;
	s18 =	simm.s32 $0x300  }
.Ltmp0:
0x19: {  	s23 =	simm.s32 $0x7D;
	s24 =	simm.s32 $0x400;
	(pc) =	sbr.rel .LBB2_1-.Ltmp0, $4  }
0x1a: {  	s7 =	simm.s32 $0x380;
	s12 =	sadd.s32 s22, s2;
	s13 =	sadd.s32 s0, s2  }
0x1b: {  	s14 =	sadd.s32 s10, s2;
	s15 =	sadd.s32 s25, s2;
	s5 =	smov.u32 @p0 s8  }
0x1c: {  	s22 =	simm.s32 $0x1;
	s25 =	simm.s32 $0x2;
	s0 =	simm.s32 $0x180  }
0x1d: {  	s2 =	simm.s32 $0x4;
	s8 =	simm.s32 $0x0;
	[dreg:$0x8] =	wrdreg s5  }
.LBB2_4:
0x1e: {  	_ =	swait.ge [sflag:s31], $0x3E80  }
0x1f: {  	[sflag:s31] =	ssyncset.done $0x0  }
0x20: {  	[sflag:s31] =	ssyncadd.s32 $0xFFFFC180  }
0x21: {  	[spmem:s1] =	stream.indirect.scatter.add.f32 [tilespmem:s26], [sflag:$0x7], $0x80, s7, s23, $0xb8;
	[tilespmem:$0x1C400] =	vst v63  }
0x22: {  	_ =	swait.ge [sflag:s21], $0x3E80  }
0x23: {  	[sflag:s21] =	ssyncset.done $0x0  }
0x24: {  	[sflag:s21] =	ssyncadd.s32 $0xFFFFC180  }
0x25: {  	[bflag:$0x0] =	sbarrier.arrive $0xFFFF  }
0x26: {  	s5 =	rddreg [dreg:$0x9]  }
0x27: {  	[hbm:s5], [sflag:s19] =	dma.local [spmem:s20], $0x2800  }
0x28: {  	_ =	swait.ge [sflag:s21], $0x2800  }
0x29: {  	s8 =	sadd.s32 $0x1, s8;
	s11 =	rddreg [dreg:$0xa]  }
0x2a: {  	p0 =	sne.s32 s8, s11  }
.Ltmp1:
0x2b: {  	_ = 	snop;
	(pc) =	sbr.rel @!p0 .LBB2_5-.Ltmp1, $3  }
0x2c: {  	_ =	sdelay $0x1  }
0x2d: {  	[sflag:s21] =	ssyncset.done $0x0  }
0x2e: {  	[sflag:s21] =	ssyncadd.s32 $0xFFFFD800  }
.LBB2_1:
0x2f: {  	s5 =	rddreg [dreg:$0x4]  }
0x30: {  	s11 =	rddreg [dreg:$0x5]  }
0x31: {  	[tilespmem:s3], [sflag:$0x1] =	stream.linear.gather [hbm4b:s5+s3], $0x100, $0x38;
	[tilespmem:$0x1C400] =	vst v63  }
0x32: {  	s9 =	rddreg [dreg:$0x6]  }
0x33: {  	[tilespmem:s16], [sflag:$0x2] =	stream.linear.gather [hbm4b:s11+s3], $0x100, $0x38;
	[tilespmem:$0x1C400] =	vst v63  }
0x34: {  	s10 =	rddreg [dreg:$0x7]  }
0x35: {  	[tilespmem:s17], [sflag:$0x3] =	stream.linear.gather [hbm4b:s9+s3], $0x100, $0x38;
	[tilespmem:$0x1C400] =	vst v63  }
0x36: {  	s11 =	rddreg [dreg:$0x8]  }
0x37: {  	[tilespmem:s18], [sflag:$0x4] =	stream.linear.gather [hbm4b:s10+s3], $0x100, $0x38;
	[tilespmem:$0x1C400] =	vst v63  }
0x38: {  	[spmem:s20], [sflag:s19] =	dma.local [hbm:s11], $0x2800  }
0x39: {  	_ =	swait.ge [sflag:s21], $0x2800  }
0x3a: {  	[sflag:s21] =	ssyncset.done $0x0  }
0x3b: {  	[sflag:s21] =	ssyncadd.s32 $0xFFFFD800  }
0x3c: {  	_ =	swait.ge [sflag:s22], $0x100  }
0x3d: {  	[sflag:s22] =	ssyncset.done $0x0  }
0x3e: {  	[sflag:s22] =	ssyncadd.s32 $0xFFFFFF00  }
0x3f: {  	[tilespmem:s24], [sflag:$0x5] =	stream.indirect.gather [hbm4b:s4+s23], $0x80, s3, s23, $0xb8;
	[tilespmem:$0x1C400] =	vst v63  }
0x40: {  	_ =	swait.ge [sflag:s25], $0x100  }
0x41: {  	[sflag:s25] =	ssyncset.done $0x0  }
0x42: {  	[sflag:s25] =	ssyncadd.s32 $0xFFFFFF00  }
0x43: {  	[tilespmem:s26], [sflag:$0x6] =	stream.indirect.gather [hbm4b:s4+s23], $0x80, s16, s23, $0xb8;
	[tilespmem:$0x1C400] =	vst v63  }
0x44: {  	s10 =	simm.s32 $0x0;
	[bflag:$0x0] =	sbarrier.arrive $0xFFFF  }
.LBB2_2:
0x45: {  	_ =	swait.ge [sflag:s28], $0x3E80  }
0x46: {  	[sflag:s28] =	ssyncset.done $0x0  }
0x47: {  	[sflag:s28] =	ssyncadd.s32 $0xFFFFC180  }
0x48: {  	[spmem:s1] =	stream.indirect.scatter.add.f32 [tilespmem:s24], [sflag:$0x7], $0x80, s29, s23, $0xb8;
	[tilespmem:$0x1C400] =	vst v63  }
0x49: {  	_ =	swait.ge [sflag:s21], $0x3E80  }
0x4a: {  	p0 =	seq.s32 s10, $0x980;
	[sflag:s21] =	ssyncset.done $0x0  }
0x4b: {  	s11 =	sadd.s32 @!p0 s10, s15;
	s5 =	simm.s32 @!p0 $0x0;
	[sflag:s21] =	ssyncadd.s32 $0xFFFFC180  }
0x4c: {  	[tilespmem:s5], [sflag:$0x1] =	stream.linear.gather @!p0 [hbm4b:s11+s5], $0x100, $0x38;
	[tilespmem:$0x1C400] =	vst v63  }
0x4d: {  	_ =	swait.ge [sflag:s30], $0x100  }
0x4e: {  	[sflag:s30] =	ssyncset.done $0x0  }
0x4f: {  	[sflag:s30] =	ssyncadd.s32 $0xFFFFFF00  }
0x50: {  	[tilespmem:s24], [sflag:$0x5] =	stream.indirect.gather [hbm4b:s4+s23], $0x80, s17, s23, $0xb8;
	[tilespmem:$0x1C400] =	vst v63  }
0x51: {  	_ =	swait.ge [sflag:s31], $0x3E80  }
0x52: {  	[sflag:s31] =	ssyncset.done $0x0  }
0x53: {  	[sflag:s31] =	ssyncadd.s32 $0xFFFFC180  }
0x54: {  	[spmem:s1] =	stream.indirect.scatter.add.f32 [tilespmem:s26], [sflag:$0x7], $0x80, s0, s23, $0xb8;
	[tilespmem:$0x1C400] =	vst v63  }
0x55: {  	_ =	swait.ge [sflag:s21], $0x3E80  }
0x56: {  	[sflag:s21] =	ssyncset.done $0x0  }
0x57: {  	s9 =	simm.s32 @!p0 $0x100;
	s11 =	sadd.s32 @!p0 s10, s14;
	[sflag:s21] =	ssyncadd.s32 $0xFFFFC180  }
0x58: {  	[tilespmem:s9], [sflag:$0x2] =	stream.linear.gather @!p0 [hbm4b:s11+s5], $0x100, $0x38;
	[tilespmem:$0x1C400] =	vst v63  }
0x59: {  	_ =	swait.ge [sflag:s2], $0x100  }
0x5a: {  	[sflag:s2] =	ssyncset.done $0x0  }
0x5b: {  	[sflag:s2] =	ssyncadd.s32 $0xFFFFFF00  }
0x5c: {  	[tilespmem:s26], [sflag:$0x6] =	stream.indirect.gather [hbm4b:s4+s23], $0x80, s18, s23, $0xb8;
	[tilespmem:$0x1C400] =	vst v63  }
0x5d: {  	_ =	swait.ge [sflag:s28], $0x3E80  }
0x5e: {  	[sflag:s28] =	ssyncset.done $0x0  }
.Ltmp2:
0x5f: {  	[sflag:s28] =	ssyncadd.s32 $0xFFFFC180;
	(pc) =	sbr.rel @p0 .LBB2_4-.Ltmp2, $4  }
0x60: {  	[spmem:s1] =	stream.indirect.scatter.add.f32 [tilespmem:s24], [sflag:$0x7], $0x80, s6, s23, $0xb8;
	[tilespmem:$0x1C400] =	vst v63  }
0x61: {  	_ =	swait.ge [sflag:s21], $0x3E80  }
0x62: {  	[sflag:s21] =	ssyncset.done $0x0  }
0x63: {  	[sflag:s21] =	ssyncadd.s32 $0xFFFFC180  }
0x64: {  	s5 =	sadd.s32 s10, s13  }
0x65: {  	[tilespmem:s17], [sflag:$0x3] =	stream.linear.gather [hbm4b:s5+s3], $0x100, $0x38;
	[tilespmem:$0x1C400] =	vst v63  }
0x66: {  	_ =	swait.ge [sflag:s22], $0x100  }
0x67: {  	[sflag:s22] =	ssyncset.done $0x0  }
0x68: {  	[sflag:s22] =	ssyncadd.s32 $0xFFFFFF00  }
0x69: {  	[tilespmem:s24], [sflag:$0x5] =	stream.indirect.gather [hbm4b:s4+s23], $0x80, s3, s23, $0xb8;
	[tilespmem:$0x1C400] =	vst v63  }
0x6a: {  	_ =	swait.ge [sflag:s31], $0x3E80  }
0x6b: {  	[sflag:s31] =	ssyncset.done $0x0  }
0x6c: {  	[sflag:s31] =	ssyncadd.s32 $0xFFFFC180  }
0x6d: {  	[spmem:s1] =	stream.indirect.scatter.add.f32 [tilespmem:s26], [sflag:$0x7], $0x80, s7, s23, $0xb8;
	[tilespmem:$0x1C400] =	vst v63  }
0x6e: {  	_ =	swait.ge [sflag:s21], $0x3E80  }
0x6f: {  	[sflag:s21] =	ssyncset.done $0x0  }
0x70: {  	s11 =	sadd.s32 s10, s12;
	[sflag:s21] =	ssyncadd.s32 $0xFFFFC180  }
0x71: {  	[tilespmem:s18], [sflag:$0x4] =	stream.linear.gather [hbm4b:s11+s3], $0x100, $0x38;
	[tilespmem:$0x1C400] =	vst v63  }
.Ltmp3:
0x72: {  	_ = 	snop;
	(pc) =	sbr.rel .LBB2_2-.Ltmp3, $4  }
0x73: {  	_ =	swait.ge [sflag:s25], $0x100  }
0x74: {  	[sflag:s25] =	ssyncset.done $0x0  }
0x75: {  	s10 =	sadd.s32 $0x80, s10;
	[sflag:s25] =	ssyncadd.s32 $0xFFFFFF00  }
0x76: {  	[tilespmem:s26], [sflag:$0x6] =	stream.indirect.gather [hbm4b:s4+s23], $0x80, s16, s23, $0xb8;
	[tilespmem:$0x1C400] =	vst v63  }
.LBB2_5:
0x77: {  	_ =	sfence.sel $0x180000  }
0x78: {  	[bflag:$0x0] =	sbarrier.arrive $0xFFFF  }
0x79: {  	_ =	strace $0x9000004D  }
0x7a: {  	s0 =	stileid.u32;
	[bflag:$0x2] =	sbarrier.arrive $0xFFFF  }
0x7b: {  	p0 =	sne.s32 s0, $0x0;
	s0 =	rddreg [dreg:$0x3]  }
0x7c: {  	s0 =	sadd.s32 @!p0 $0x100000, s0  }
0x7d: {  	[sflag:s0] =	ssyncadd.tile.s32 @!p0 $0x1;
	_ =	shalt  }
.Lfunc_end2:
_tile_overlayer_lowered:
.L_overlay_start_2:
0x7e: {  	(tag) =	ssettag $0x2  }
0x7f: {  	s0 =	rddreg [dreg:$0x0];
	s2 =	stileid.u32  }
0x80: {  	s1 =	rddreg [dreg:$0x1];
	p0 =	sne.s32 s2, $0x0  }
0x81: {  	s3 =	rddreg [dreg:$0x2];
	[bflag:$0x3] =	sbarrier.arrive $0xFFFF;
	s2 =	simm.s32 @!p0 $0x1C07  }
0x82: {  	[timem:s3], [sflag:s2] =	dma.local @!p0 [hbm:s0], s1  }
0x83: {  	s0 =	simm.s32 @!p0 $0x7  }
0x84: {  	_ =	swait.ge @!p0 [sflag:s0], s1  }
0x85: {  	s1 =	ssub.s32 @!p0 $0x0, s1;
	[sflag:s0] =	ssyncset.done @!p0 $0x0  }
0x86: {  	[sflag:s0] =	ssyncadd.s32 @!p0 s1  }
0x87: {  	[bflag:$0x3] =	sbarrier.arrive $0xFFFF  }
0x88: {  	_ =	shalt  }

// kernel: kernel.8.cloned.1.call-start
scs
__scs_entry_jumppad:
0x0: {  	(pc) =	sbr.rel $0x88, $3  }
0x1: {  	(tag) =	ssettag $0x0;
	lr =	simm.s32 $0x1  }
0x2: {  	[smem:$0x3F9B] =	sst lr;
	_ =	strace $0xD0000000  }
0x3: {  	_ = 	snop  }
0x4: {  	_ = 	snop  }
0x5: {  	_ = 	snop  }
0x6: {  	_ = 	snop  }
0x7: {  	_ = 	snop  }
__scs_overlays_trampoline_lowered:
0x8: {  	[smem:$0x3FAA] =	sst s0  }
0x9: {  	[smem:$0x3FAB] =	sst s1  }
0xa: {  	[smem:$0x3FAC] =	sst s2  }
0xb: {  	[smem:$0x3FAD] =	sst s3  }
0xc: {  	[smem:$0x3FAE] =	sst s4  }
0xd: {  	[smem:$0x3FAF] =	sst s5  }
0xe: {  	[smem:$0x3FB0] =	sst s6  }
0xf: {  	[smem:$0x3FB1] =	sst s7  }
0x10: {  	[smem:$0x3FB2] =	sst s8  }
0x11: {  	[smem:$0x3FB3] =	sst s9;
	s0 =	simm.s32 @!p0 $0x0  }
0x12: {  	s1 =	sld [smem:$0x3F99];
	s0 =	simm.s32 @p0 $0x1  }
0x13: {  	[smem:$0x3FB4] =	sst s0;
	s0 =	simm.s32 @!p1 $0x0  }
0x14: {  	s2 =	sld [smem:$0x3F98];
	s0 =	simm.s32 @p1 $0x1  }
0x15: {  	[smem:$0x3FB5] =	sst s0;
	s0 =	simm.s32 @!p2 $0x0  }
0x16: {  	s3 =	sld [smem:$0x3FDB];
	s0 =	simm.s32 @p2 $0x1  }
0x17: {  	s4 =	simm.s32 $0x1BF5;
	[smem:$0x3FB7] =	sst s0  }
0x18: {  	s0 =	sld [smem:$0x3F9A];
	_ =	swait.ge [sflag:s4], $0x0  }
0x19: {  	s7 =	sld [smem:$0x3F9B]  }
0x1a: {  	s8 =	sadd.s32 $0xFFFFE003, lr  }
0x1b: {  	s9 =	sadd.s32 $0xFFFFFEF7, lr;
	s5 =	simm.s32 $0xFFFFFFFF;
	p2 =	slt.u32 s8, $0xFFFFF086  }
0x1c: {  	p1 =	slt.u32 s9, $0xF7A;
	s5 =	simm.s32 @!p2 $0x0  }
0x1d: {  	s5 =	simm.s32 @p1 $0x1;
	p0 =	seq.s32 s7, s2  }
0x1e: {  	s7 =	smul.u32 @!p0 $0xF7A, s2;
	p2 =	seq.s32 @!p0 s5, $0x0  }
0x1f: {  	s9 =	smul.u32 $0xF7A, s1;
	s8 =	simm.s32 @!p0 $0x1BF5;
	p2 =	por !p2, p0  }
0x20: {  	[sflag:s8] =	ssyncset.s32 @!p0 $0xFFFFF086;
	s6 =	sadd.s32 @!p0 s3, s7;
	s7 =	simm.s32 @!p0 $0x108  }
0x21: {  	s3 =	sadd.s32 s3, s9;
	s6 =	sadd.s32 @!p0 $0x88, s6;
	s7 =	simm.s32 @p2 $0x1082  }
0x22: {  	[simem:s7], [sflag:s8] =	dma.local @!p0 [hbm:s6], $0xF7A  }
0x23: {  	s9 =	sor.u32 $0xD0000000, s2;
	s6 =	simm.s32 $0x108;
	_ =	swait.ge @!p0 [sflag:s8], $0x0  }
0x24: {  	s3 =	sadd.s32 $0x88, s3;
	s6 =	simm.s32 @!p1 $0x1082;
	[sflag:s4] =	ssyncset.s32 $0xFFFFF086  }
0x25: {  	[simem:s6], [sflag:s4] =	dma.local [hbm:s3], $0xF7A  }
0x26: {  	[smem:$0x3F9B] =	sst s1;
	(tag) =	ssettag s2;
	_ =	strace s9  }
0x27: {  	s1 =	sld [smem:$0x3FAB]  }
0x28: {  	s2 =	sld [smem:$0x3FAC]  }
0x29: {  	s4 =	sld [smem:$0x3FAE]  }
0x2a: {  	p0 =	seq.s32 s5, $0x0;
	s5 =	sld [smem:$0x3FAF]  }
0x2b: {  	s6 =	sld [smem:$0x3FB0]  }
0x2c: {  	s7 =	sld [smem:$0x3FB1]  }
0x2d: {  	s3 =	simm.s32 $0x108;
	s8 =	sld [smem:$0x3FB2]  }
0x2e: {  	s3 =	simm.s32 @!p0 $0x1082;
	s9 =	sld [smem:$0x3FB3]  }
0x2f: {  	lr =	sadd.s32 s0, s3;
	s0 =	sld [smem:$0x3FAA]  }
0x30: {  	s3 =	sld [smem:$0x3FAD]  }
0x31: {  	[smem:$0x3FB6] =	sst s10  }
0x32: {  	s10 =	sld [smem:$0x3FB4];
	_ =	sdelay $0x3  }
0x33: {  	p0 =	seq.s32 s10, $0x1;
	s10 =	sld [smem:$0x3FB6];
	_ =	sdelay $0x3  }
0x34: {  	[smem:$0x3FB6] =	sst s10  }
0x35: {  	s10 =	sld [smem:$0x3FB5];
	_ =	sdelay $0x3  }
0x36: {  	p1 =	seq.s32 s10, $0x1;
	s10 =	sld [smem:$0x3FB6];
	_ =	sdelay $0x3  }
0x37: {  	[smem:$0x3FB6] =	sst s10  }
0x38: {  	s10 =	sld [smem:$0x3FB7]  }
0x39: {  	_ = 	snop;
	(pc) =	sbr.ind lr, $3  }
0x3a: {  	_ = 	snop  }
0x3b: {  	_ = 	snop  }
0x3c: {  	p2 =	seq.s32 s10, $0x1;
	s10 =	sld [smem:$0x3FB6]  }
0x3d: {  	_ =	shalt  }
0x3e: {  	_ =	shalt  }
0x3f: {  	_ =	shalt  }
0x40: {  	_ =	shalt  }
0x41: {  	_ =	shalt  }
0x42: {  	_ =	shalt  }
0x43: {  	_ =	shalt  }
0x44: {  	_ =	shalt  }
0x45: {  	_ =	shalt  }
0x46: {  	_ =	shalt  }
0x47: {  	_ =	shalt  }
0x48: {  	_ =	shalt  }
0x49: {  	_ =	shalt  }
0x4a: {  	_ =	shalt  }
0x4b: {  	_ =	shalt  }
0x4c: {  	_ =	shalt  }
0x4d: {  	_ =	shalt  }
0x4e: {  	_ =	shalt  }
0x4f: {  	_ =	shalt  }
0x50: {  	_ =	shalt  }
0x51: {  	_ =	shalt  }
0x52: {  	_ =	shalt  }
0x53: {  	_ =	shalt  }
0x54: {  	_ =	shalt  }
0x55: {  	_ =	shalt  }
0x56: {  	_ =	shalt  }
0x57: {  	_ =	shalt  }
0x58: {  	_ =	shalt  }
0x59: {  	_ =	shalt  }
0x5a: {  	_ =	shalt  }
0x5b: {  	_ =	shalt  }
0x5c: {  	_ =	shalt  }
0x5d: {  	_ =	shalt  }
0x5e: {  	_ =	shalt  }
0x5f: {  	_ =	shalt  }
0x60: {  	_ =	shalt  }
0x61: {  	_ =	shalt  }
0x62: {  	_ =	shalt  }
0x63: {  	_ =	shalt  }
0x64: {  	_ =	shalt  }
0x65: {  	_ =	shalt  }
0x66: {  	_ =	shalt  }
0x67: {  	_ =	shalt  }
0x68: {  	_ =	shalt  }
0x69: {  	_ =	shalt  }
0x6a: {  	_ =	shalt  }
0x6b: {  	_ =	shalt  }
0x6c: {  	_ =	shalt  }
0x6d: {  	_ =	shalt  }
0x6e: {  	_ =	shalt  }
0x6f: {  	_ =	shalt  }
0x70: {  	_ =	shalt  }
0x71: {  	_ =	shalt  }
0x72: {  	_ =	shalt  }
0x73: {  	_ =	shalt  }
0x74: {  	_ =	shalt  }
0x75: {  	_ =	shalt  }
0x76: {  	_ =	shalt  }
0x77: {  	_ =	shalt  }
0x78: {  	_ =	shalt  }
0x79: {  	_ =	shalt  }
0x7a: {  	_ =	shalt  }
0x7b: {  	_ =	shalt  }
0x7c: {  	_ =	shalt  }
0x7d: {  	_ =	shalt  }
0x7e: {  	_ =	shalt  }
0x7f: {  	_ =	shalt  }
0x80: {  	_ =	shalt  }
0x81: {  	_ =	shalt  }
0x82: {  	_ =	shalt  }
0x83: {  	_ =	shalt  }
0x84: {  	_ =	shalt  }
0x85: {  	_ =	shalt  }
0x86: {  	_ =	shalt  }
0x87: {  	_ =	shalt  }
.Lfunc_end0:
.L_simem_size_0:
called_computation_lowered:
.L_overlay_start_0:
0x88: {  	s2 =	sld [smem:$0x3FD9]  }
0x89: {  	s3 =	sld [smem:$0x3FFE];
	_ =	sdelay $0x1  }
0x8a: {  	s1 =	srdreg.scid  }
0x8b: {  	s0 =	sand.u32 $0x1, s1  }
0x8c: {  	s16 =	sshll.u32 s0, $0xA;
	s2 =	sadd.s32 s3, s2  }
0x8d: {  	s2 =	sadd.s32 s2, s16  }
0x8e: {  	[smem:$0x3FC2] =	sst s2  }
0x8f: {  	_ = 	snop  }
0x90: {  	(tm) =	ssettm $0x1  }
0x91: {  	s17 =	sld [smem:$0x3FFB];
	_ =	sdelay $0x3  }
0x92: {  	_ =	strace s17  }
0x93: {  	s2 =	sld [smem:$0x3FFC];
	_ =	sdelay $0x3  }
0x94: {  	_ =	strace s2  }
0x95: {  	s2 =	sld [smem:$0x3FFD];
	_ =	sdelay $0x3  }
0x96: {  	_ =	strace s2  }
0x97: {  	_ =	strace $0x8FFFFFFF  }
0x98: {  	s18 =	sld [smem:$0x3FDB];
	_ =	sdelay $0x1  }
0x99: {  	s19 =	simm.s32 $_scs_section_size  }
0x9a: {  	s4 =	simm.s32 $_size__tile_overlayer_lowered;
	s5 =	simm.s32 $_tile_overlayer_lowered  }
0x9b: {  	s22 =	simm.s32 $0x1BFF;
	s21 =	sshll.u32 s5, $0x1;
	s2 =	sadd.s32 s19, s18  }
0x9c: {  	s6 =	simm.s32 $0x0;
	s20 =	sshll.u32 s4, $0x1;
	s4 =	sadd.s32 s21, s2  }
0x9d: {  	[timem:s6], [sflag:s22] =	dma.local [hbm:s4], s20  }
0x9e: {  	_ =	swait.ge [sflag:s22], s20  }
0x9f: {  	s3 =	ssub.s32 $0x0, s20;
	[sflag:s22] =	ssyncset.done $0x0  }
0xa0: {  	[sflag:s22] =	ssyncadd.s32 s3;
	_ =	sdelay $0x1  }
0xa1: {  	s23 =	simm.s32 $0x1B8B  }
0xa2: {  	_ =	swait.ge [sflag:s23], $0x1  }
0xa3: {  	[sflag:s23] =	ssyncset.done $0x0  }
0xa4: {  	s25 =	simm.s32 $0x1B8E;
	s24 =	sld [smem:$0x3FFE];
	[sflag:s23] =	ssyncadd.s32 $0xFFFFFFFF  }
0xa5: {  	s26 =	simm.s32 $execute0_lowered;
	[smem:$0x3FD2] =	sst s25  }
0xa6: {  	s4 =	sshll.u32 s26, $0x1;
	_ =	strace $0x80000046;
	[dreg:$0x1] =	wrdreg $0xFFFFFFFF  }
0xa7: {  	s28 =	simm.s32 $_size_execute0_lowered;
	s2 =	sadd.s32 s2, s4;
	[dreg:$0x0] =	wrdreg $0x0  }
0xa8: {  	s4 =	sshll.u32 s28, $0x1;
	[dreg:$0x2] =	wrdreg s2  }
0xa9: {  	[dreg:$0x3] =	wrdreg s4  }
0xaa: {  	[dreg:$0x4] =	wrdreg $0xC0  }
0xab: {  	_ =	task [dreg:s6], $0x5FFFF  }
0xac: {  	[dreg:$0x1] =	wrdreg $0xFFFFFFFF  }
0xad: {  	[dreg:$0x0] =	wrdreg $0x60  }
0xae: {  	[dreg:$0x2] =	wrdreg s24  }
0xaf: {  	[dreg:$0x3] =	wrdreg $0x9  }
0xb0: {  	_ =	task.clear_ibuf [dreg:s6], $0x4FFFF;
	_ =	strace $0x90000046  }
0xb1: {  	s29 =	simm.s32 $0x9;
	_ =	strace $0x80000048  }
0xb2: {  	_ =	swait.ge [sflag:s29], $0x1  }
0xb3: {  	[sflag:s29] =	ssyncadd.s32 $0xFFFFFFFF  }
0xb4: {  	_ =	strace $0x90000048  }
0xb5: {  	_ =	sfence  }
0xb6: {  	s30 =	sld [smem:$0x0];
	_ =	sdelay $0x2  }
0xb7: {  	s31 =	sshll.u32 s1, $0xD;
	s1 =	sshrl.u32 s1, $0x2  }
0xb8: {  	s3 =	sand.u32 $0x4000, s31;
	s1 =	sadd.s32 s1, s30  }
0xb9: {  	s0 =	sor.u32 s3, s0;
	s1 =	sshll.u32 s1, $0x11  }
0xba: {  	s0 =	sor.u32 s1, s0  }
0xbb: {  	s0 =	sadd.s32 $0x8F2B, s0  }
0xbc: {  	[sflag:s0] =	ssyncadd.remote.s32 $0x1  }
0xbd: {  	_ =	sfence.sel $0xFFFF  }
0xbe: {  	[dreg:$0x0] =	wrdreg $0xFFFFFFFF;
	(pc) =	sbr.abs _section_cstart, $3  }
0xbf: {  	[dreg:$0x1] =	wrdreg $0xFFFFFFFF  }
0xc0: {  	_ =	task.clear_ibuf [dreg:s6], $0x2FFFF;
	_ =	strace $0x9FFFFFFF  }
0xc1: {  	(tm) =	ssettm $0x7FFFFFFF  }
tec
execute0_lowered:
.L_overlay_start_1:
0x0: {  	(tag) =	ssettag $0x1  }
0x1: {  	s0 =	srdreg.scid  }
0x2: {  	s4 =	rddreg [dreg:$0x0];
	s3 =	sand.u32 $0x1, s0  }
0x3: {  	s2 =	simm.s32 $0x0;
	s0 =	stileid.u32;
	s1 =	sshll.u32 s3, $0x4  }
0x4: {  	s8 =	simm.s32 $0x1;
	s9 =	simm.s32 $0x80;
	s1 =	sor.u32 s0, s1  }
0x5: {  	s10 =	simm.s32 $0x400;
	s11 =	simm.s32 $0x0;
	s5 =	sshrl.u32 s1, $0x3  }
0x6: {  	[smem:$0x7FF] =	sst s2;
	s6 =	sshll.u32 s0, $0x7;
	s7 =	smul.u32 $0x13C00, s5  }
0x7: {  	s30 =	ssub.s32 $0x2, s3;
	s6 =	sand.u32 $0x380, s6;
	s5 =	smul.u32 $0x14000, s5  }
0x8: {  	s3 =	sadd.s32 $0xBC00, s4;
	s31 =	sshrl.u32 s30, $0x1;
	s7 =	sor.u32 s6, s7  }
0x9: {  	s1 =	rddreg [dreg:$0x1];
	s5 =	sor.u32 s6, s5;
	s7 =	sshrl.u32 s7, $0x3  }
0xa: {  	_ =	strace $0x80000047;
	s5 =	sshrl.u32 s5, $0x3;
	s29 =	sadd.s32 s7, s4  }
0xb: {  	s5 =	sadd.s32 s5, s4;
	s7 =	ssub.s32 s30, s31;
	s4 =	sadd.s32 $0x1E00, s29  }
0xc: {  	v0 =	vimm.f32 $1.000000000e+00;
	s5 =	sadd.s32 $0xC200, s5;
	s6 =	smax.u32 s7, $0x1;
	s7 =	simm.s32 $0x2780  }
.LBB2_1:
0xd: {  	[tilespmem:s7], [sflag:$0x1] =	stream.linear.gather [hbm4b:s3+s2], $0x2800, $0x38;
	[tilespmem:$0x4F80] =	vst v63  }
0xe: {  	_ =	swait.ge [sflag:s8], $0x2800  }
0xf: {  	[sflag:s8] =	ssyncset.done $0x0  }
0x10: {  	[sflag:s8] =	ssyncadd.s32 $0xFFFFD800  }
0x11: {  	[tilespmem:s2], [sflag:$0x1] =	stream.strided.gather [hbm4b:s4+s9], $0x2780, s10, s9, $0x38;
	[tilespmem:$0x4F80] =	vst v63  }
0x12: {  	_ =	swait.ge [sflag:s8], $0x2780  }
0x13: {  	[sflag:s8] =	ssyncset.done $0x0  }
0x14: {  	s13 =	simm.s32 $0x0;
	s12 =	simm.s32 $0x40;
	[sflag:s8] =	ssyncadd.s32 $0xFFFFD880  }
.LBB2_2:
0x15: {  	p0 =	sne.s32 s12, $0x9C00;
	v1 =	vld [tilespmem:s13+$0x0];
	_ =	sdelay $0x3  }
.Ltmp0:
0x16: {  	(pc) =	sbr.rel @p0 .LBB2_2-.Ltmp0, $2  }
0x17: {  	_ =	sdelay $0x2  }
0x18: {  	s13 =	sshra.s32 s12, $0x2;
	s12 =	sadd.s32 $0x40, s12;
	[tilespmem:v1+s7+$0x0] =	vst.idx.add.f32.msk $0xffff, v0  }
0x19: {  	v1 =	vld [tilespmem:s13+$0x0];
	_ =	sdelay $0x5  }
0x1a: {  	s11 =	sadd.s32 $0x1, s11  }
0x1b: {  	p0 =	sne.s32 s11, s6  }
.Ltmp1:
0x1c: {  	[tilespmem:v1+s7+$0x0] =	vst.idx.add.f32.msk $0xffff, v0;
	(pc) =	sbr.rel @p0 .LBB2_1-.Ltmp1, $4  }
0x1d: {  	[hbm4b:s5+s9] =	stream.strided.scatter [tilespmem:s7], [sflag:$0x1], $0x2800, s10, s9, $0x38;
	[tilespmem:$0x4F80] =	vst v63  }
0x1e: {  	_ =	swait.ge [sflag:s8], $0x2800  }
0x1f: {  	[sflag:s8] =	ssyncset.done $0x0  }
0x20: {  	[sflag:s8] =	ssyncadd.s32 $0xFFFFD800  }
0x21: {  	_ =	sfence.sel $0x180000  }
0x22: {  	[bflag:$0x0] =	sbarrier.arrive $0xFFFF  }
0x23: {  	p0 =	sne.s32 s0, $0x0;
	_ =	strace $0x90000047  }
0x24: {  	s0 =	sadd.s32 @!p0 $0x100000, s1;
	[bflag:$0x2] =	sbarrier.arrive $0xFFFF  }
0x25: {  	[sflag:s0] =	ssyncadd.tile.s32 @!p0 $0x1;
	_ =	shalt  }
.Lfunc_end2:
_tile_overlayer_lowered:
.L_overlay_start_2:
0x26: {  	(tag) =	ssettag $0x2  }
0x27: {  	s0 =	rddreg [dreg:$0x0];
	s2 =	stileid.u32  }
0x28: {  	s1 =	rddreg [dreg:$0x1];
	p0 =	sne.s32 s2, $0x0  }
0x29: {  	s3 =	rddreg [dreg:$0x2];
	[bflag:$0x3] =	sbarrier.arrive $0xFFFF;
	s2 =	simm.s32 @!p0 $0x1C01  }
0x2a: {  	[timem:s3], [sflag:s2] =	dma.local @!p0 [hbm:s0], s1  }
0x2b: {  	s0 =	simm.s32 @!p0 $0x1  }
0x2c: {  	_ =	swait.ge @!p0 [sflag:s0], s1  }
0x2d: {  	s1 =	ssub.s32 @!p0 $0x0, s1;
	[sflag:s0] =	ssyncset.done @!p0 $0x0  }
0x2e: {  	[sflag:s0] =	ssyncadd.s32 @!p0 s1  }
0x2f: {  	[bflag:$0x3] =	sbarrier.arrive $0xFFFF  }
0x30: {  	_ =	shalt  }

</sc_bundles>
